<compile_context>
chip_gen: v7x
topology: tpu7x:2x2x1
jax: 0.10.2.dev20260603
libtpu: 0.0.44.dev20260713+nightly
codegen_flags: <defaults>
</compile_context>

<pallas_src>
import functools

import jax
import jax.numpy as jnp
from jax.experimental import pallas as pl
from jax.experimental.pallas import tpu as pltpu
from jax.experimental.pallas import tpu_sc as plsc

_K = 8192
_D = 32
_TILE = 256
_KC = 2048
_GW = 128
_SC_CORES = 2
_SC_SUBCORES = 16


def _argmin_body(r_ref, rn2_ref, en2_ref, it_ref, et_ref, idx_ref, dmin_ref):
    r = r_ref[...]
    rn2 = rn2_ref[...]
    halves = []
    for h in range(2):
        best_d = None
        best_i = None
        for cc in range(_K // _KC // 2):
            c = h * (_K // _KC // 2) + cc
            et_c = et_ref[:, c * _KC:(c + 1) * _KC]
            s = jax.lax.dot_general(r.astype(jnp.bfloat16),
                                    et_c.astype(jnp.bfloat16),
                                    (((1,), (0,)), ((), ())),
                                    preferred_element_type=jnp.float32)
            en2_c = en2_ref[:, c * _KC:(c + 1) * _KC]
            dist = (rn2 - s) + en2_c
            m = jnp.min(dist, axis=1, keepdims=True)
            iota_c = it_ref[:, c * _KC:(c + 1) * _KC]
            ii = jnp.min(jnp.where(dist == m, iota_c, jnp.float32(_K)),
                         axis=1)
            md = m[:, 0]
            if best_d is None:
                best_d, best_i = md, ii
            else:
                take = md < best_d
                best_i = jnp.where(take, ii, best_i)
                best_d = jnp.where(take, md, best_d)
        halves.append((best_d, best_i))
    (d0, i0), (d1, i1) = halves
    acc = d0.astype(jnp.bfloat16).astype(jnp.float32)
    take = d1 < acc
    idx_ref[0, 0, :] = jnp.where(take, i1, i0).astype(jnp.int32)
    dmin_ref[0, 0, :] = jnp.where(take, d1, d0)


def _tc_argmin(r, rn2, en2, iota_row, et):
    rows = r.shape[0]
    grid = rows // _TILE
    outs = pl.pallas_call(
        _argmin_body,
        grid=(grid,),
        in_specs=[pl.BlockSpec((_TILE, _D), lambda i: (i, 0)),
                  pl.BlockSpec((_TILE, 1), lambda i: (i, 0)),
                  pl.BlockSpec((1, _K), lambda i: (0, 0)),
                  pl.BlockSpec((1, _K), lambda i: (0, 0)),
                  pl.BlockSpec((_D, _K), lambda i: (0, 0))],
        out_specs=[pl.BlockSpec((1, 1, _TILE), lambda i: (i, 0, 0)),
                   pl.BlockSpec((1, 1, _TILE), lambda i: (i, 0, 0))],
        out_shape=[jax.ShapeDtypeStruct((grid, 1, _TILE), jnp.int32),
                   jax.ShapeDtypeStruct((grid, 1, _TILE), jnp.float32)],
        compiler_params=pltpu.CompilerParams(
            dimension_semantics=("parallel",)),
    )(r, rn2, en2, iota_row, et)
    idx, dmin = outs
    return idx.reshape(rows), dmin


def _sc_gather(table, idx):
    n = idx.shape[0]
    nw = _SC_CORES * _SC_SUBCORES
    per_w = n // nw
    nch = per_w // _GW
    mesh = plsc.VectorSubcoreMesh(core_axis_name="core",
                                  subcore_axis_name="subcore")

    @functools.partial(
        pl.kernel,
        out_type=jax.ShapeDtypeStruct((n, 128), jnp.float32),
        mesh=mesh,
        scratch_types=[pltpu.VMEM((_GW,), jnp.int32),
                       pltpu.VMEM((_GW, 128), jnp.float32),
                       pltpu.SemaphoreType.DMA])
    def gather_kernel(table_hbm, i_hbm, o_hbm, idx_v, rows_v, sem):
        wid = (jax.lax.axis_index("subcore") * _SC_CORES
               + jax.lax.axis_index("core"))
        base = wid * per_w

        @pl.loop(0, nch)
        def _(c):
            off = base + c * _GW
            pltpu.sync_copy(i_hbm.at[pl.ds(off, _GW)], idx_v)
            pltpu.async_copy(table_hbm.at[idx_v], rows_v, sem).wait()
            pltpu.sync_copy(rows_v, o_hbm.at[pl.ds(off, _GW)])

    return gather_kernel(table, idx)


def _update_body(r_ref, q_ref, o_ref):
    o_ref[...] = r_ref[...] - q_ref[:, :_D]


def _tc_update(r, q):
    rows = r.shape[0]
    tile = 2048
    return pl.pallas_call(
        _update_body,
        grid=(rows // tile,),
        in_specs=[pl.BlockSpec((tile, _D), lambda i: (i, 0)),
                  pl.BlockSpec((tile, 128), lambda i: (i, 0))],
        out_specs=pl.BlockSpec((tile, _D), lambda i: (i, 0)),
        out_shape=jax.ShapeDtypeStruct((rows, _D), jnp.float32),
        compiler_params=pltpu.CompilerParams(
            dimension_semantics=("parallel",)),
    )(r, q)


def _combine_body(x_ref, r_ref, q_ref, o_ref):
    o_ref[...] = x_ref[...] - (r_ref[...] - q_ref[:, :_D])


def _tc_combine(x, r, q):
    rows = x.shape[0]
    tile = 2048
    spec = pl.BlockSpec((tile, _D), lambda i: (i, 0))
    qspec = pl.BlockSpec((tile, 128), lambda i: (i, 0))
    return pl.pallas_call(
        _combine_body,
        grid=(rows // tile,),
        in_specs=[spec, spec, qspec],
        out_specs=spec,
        out_shape=jax.ShapeDtypeStruct((rows, _D), jnp.float32),
        compiler_params=pltpu.CompilerParams(
            dimension_semantics=("parallel",)),
    )(x, r, q)


def kernel(x, codebooks):
    b, n, d = x.shape
    rows = b * n
    xf = x.reshape(rows, d)
    ets = jnp.transpose(codebooks, (0, 2, 1)) * 2.0
    cb_pad = jnp.pad(codebooks, ((0, 0), (0, 0), (0, 128 - d)))
    iota_row = jax.lax.iota(jnp.float32, _K).reshape(1, _K)
    num_q = codebooks.shape[0]

    idxs = []
    losses = []
    resid = xf
    quant = None
    for q in range(num_q):
        rn2 = jnp.sum(resid ** 2, axis=-1, keepdims=True)
        en2 = jnp.sum(codebooks[q] ** 2, axis=-1).reshape(1, _K)
        idx_q, dmin = _tc_argmin(resid, rn2, en2, iota_row, ets[q])
        quant = _sc_gather(cb_pad[q], idx_q)
        idxs.append(idx_q.reshape(b, n))
        losses.append(jnp.sum(dmin) / (rows * d))
        if q + 1 < num_q:
            resid = _tc_update(resid, quant)

    quantized_out = _tc_combine(xf, resid, quant).reshape(b, n, d)
    all_indices = jnp.stack(idxs, axis=-1)
    all_losses = jnp.stack(losses, axis=-1).astype(jnp.float32)
    return quantized_out, all_indices, all_losses

# --- scband reference (transcript-rebuilt; emitter-appended) ---
"""Pipeline reference for scband-residual-vq-51238959841480 (READ-ONLY COPY).

The authoritative reference and input builder live on the scoring server;
editing this copy changes nothing except your own understanding.
"""

import jax, jax.numpy as jnp
import numpy as np

NUM_QUANTIZERS = 4
CODEBOOK_SIZE = 8192
DIM = 32
BATCH = 32
SEQ = 1024


def setup_inputs(seed: int = 0) -> dict:
    key = jax.random.key(seed)
    k1, k2 = jax.random.split(key)
    x = jax.random.normal(k1, (BATCH, SEQ, DIM), dtype=jnp.float32)
    # one codebook per quantizer layer: [Q, K, D]
    codebooks = jax.random.normal(k2, (NUM_QUANTIZERS, CODEBOOK_SIZE, DIM), dtype=jnp.float32) * 0.02
    return {"x": x, "codebooks": codebooks}


def _vq_layer(residual, embed):
    # residual: [B, N, D]; embed: [K, D]
    b, n, d = residual.shape
    flat = residual.reshape(-1, d)  # [B*N, D]
    # squared euclidean distance to every code
    dist = (
        jnp.sum(flat ** 2, axis=-1, keepdims=True)
        - 2.0 * flat @ embed.T
        + jnp.sum(embed ** 2, axis=-1)[None, :]
    )  # [B*N, K]
    idx = jnp.argmin(dist, axis=-1)  # [B*N]
    quant = jnp.take(embed, idx, axis=0).reshape(b, n, d)
    # commitment loss (codebook updated via EMA in original, so only commit term)
    loss = jnp.mean((jax.lax.stop_gradient(quant) - residual) ** 2)
    # straight-through estimator
    quant_st = residual + jax.lax.stop_gradient(quant - residual)
    return quant_st, idx.reshape(b, n), loss


def reference(x, codebooks):
    quantized_out = jnp.zeros_like(x)
    residual = x
    all_indices = []
    all_losses = []
    for q in range(codebooks.shape[0]):
        quant, idx, loss = _vq_layer(residual, codebooks[q])
        residual = residual - quant
        quantized_out = quantized_out + quant
        all_indices.append(idx)
        all_losses.append(loss)
    all_indices = jnp.stack(all_indices, axis=-1)  # [B, N, Q]
    all_losses = jnp.stack(all_losses, axis=-1)    # [Q]
    return quantized_out, all_indices, all_losses

if __name__ == "__main__":
    import jax
    _d = setup_inputs()
    print(jax.jit(kernel)(*tuple(_d.values())))

</pallas_src>

<mosaic_0001>
#map = affine_map<(d0, d1) -> (0, 0)>
#map1 = affine_map<(d0, d1) -> (0)>
module attributes {stable_mosaic.version = 14 : i64} {
  func.func @gather_kernel(%arg0: i32, %arg1: i32, %arg2: memref<8192x128xf32, #tpu.memory_space<hbm>>, %arg3: memref<32768xi32, #tpu.memory_space<hbm>>, %arg4: memref<32768x128xf32, #tpu.memory_space<hbm>>, %arg5: memref<128xi32, #tpu.memory_space<vmem>>, %arg6: memref<128x128xf32, #tpu.memory_space<vmem>>, %arg7: memref<!tpu.dma_semaphore, #tpu.memory_space<semaphore_mem>>) attributes {dimension_semantics = [#tpu.dimension_semantics<core_parallel>, #tpu.dimension_semantics<subcore_parallel>], iteration_bounds = array<i64: 2, 16>, scalar_prefetch = 0 : i64, scratch_operands = 3 : i64, tpu.core_type = #tpu.core_type<sc_vector_subcore>, window_params = [{transform_indices = #map}, {transform_indices = #map1}, {transform_indices = #map}]} {
    %mul3A = arith.constant 2 : i32
    %mul3A_0 = arith.muli %arg1, %mul3A : i32
    %add3A = arith.addi %mul3A_0, %arg0 : i32
    %mul3A_1 = arith.constant 1024 : i32
    %mul3A_2 = arith.muli %add3A, %mul3A_1 : i32
    %scan3A = arith.constant 0 : i32
    %scan3A_3 = arith.constant 8 : i32
    %scan3A_4 = arith.addi %scan3A, %scan3A_3 : i32
    %scan3A_5 = arith.constant 1 : i32
    scf.for %scan3A_7 = %scan3A to %scan3A_4 step %scan3A_5  : i32 {
      %mul3A_8 = arith.constant 1 : i32
      %mul3A_9 = arith.muli %scan3A_7, %mul3A_8 : i32
      %add3A_10 = arith.constant 0 : i32
      %add3A_11 = arith.addi %add3A_10, %mul3A_9 : i32
      %mul3A_12 = arith.constant 128 : i32
      %mul3A_13 = arith.muli %add3A_11, %mul3A_12 : i32
      %add3A_14 = arith.addi %mul3A_2, %mul3A_13 : i32
      "tpu.region"() ({
        %run_scoped3A = tpu.sem_alloc : memref<!tpu.dma_semaphore, #tpu.memory_space<semaphore_mem>>
        %dma_start3A_19 = tpu.memref_slice %arg3[%add3A_14] : memref<32768xi32, #tpu.memory_space<hbm>> -> memref<128xi32, #tpu.memory_space<hbm>>
        %dma_start3A_20 = tpu.memref_slice %arg3[%add3A_14] : memref<32768xi32, #tpu.memory_space<hbm>> -> memref<128xi32, #tpu.memory_space<hbm>>
        tpu.enqueue_dma source(%dma_start3A_20 : memref<128xi32, #tpu.memory_space<hbm>>) target(%arg5 : memref<128xi32, #tpu.memory_space<vmem>>) target_semaphore(%run_scoped3A : memref<!tpu.dma_semaphore, #tpu.memory_space<semaphore_mem>>)
        %dma_wait3A_21 = tpu.memref_slice %arg3[%add3A_14] : memref<32768xi32, #tpu.memory_space<hbm>> -> memref<128xi32, #tpu.memory_space<hbm>>
        %dma_wait3A_22 = tpu.memref_slice %arg3[%add3A_14] : memref<32768xi32, #tpu.memory_space<hbm>> -> memref<128xi32, #tpu.memory_space<hbm>>
        tpu.wait_dma2 semaphore(%run_scoped3A : memref<!tpu.dma_semaphore, #tpu.memory_space<semaphore_mem>>) src(%dma_wait3A_22 : memref<128xi32, #tpu.memory_space<hbm>>) dst(%arg5 : memref<128xi32, #tpu.memory_space<vmem>>)
        tpu.yield
      }) : () -> ()
      %dma_start3A = arith.constant 0 : i32
      %dma_start3A_15 = arith.constant 0 : i32
      %dma_start3A_16 = tpu.memref_slice %arg2[%dma_start3A, %dma_start3A_15] : memref<8192x128xf32, #tpu.memory_space<hbm>> -> memref<8192x128xf32, #tpu.memory_space<hbm>>
      tpu.enqueue_indirect_dma source(%dma_start3A_16 : memref<8192x128xf32, #tpu.memory_space<hbm>>) target(%arg6 : memref<128x128xf32, #tpu.memory_space<vmem>>) offsets(%arg5 : memref<128xi32, #tpu.memory_space<vmem>>) semaphore(%arg7 : memref<!tpu.dma_semaphore, #tpu.memory_space<semaphore_mem>>)
      %dma_wait3A = arith.constant 0 : i32
      %dma_wait3A_17 = arith.constant 0 : i32
      %dma_wait3A_18 = tpu.memref_slice %arg2[%dma_wait3A, %dma_wait3A_17] : memref<8192x128xf32, #tpu.memory_space<hbm>> -> memref<8192x128xf32, #tpu.memory_space<hbm>>
      tpu.wait_indirect_dma semaphore(%arg7 : memref<!tpu.dma_semaphore, #tpu.memory_space<semaphore_mem>>) src(%dma_wait3A_18 : memref<8192x128xf32, #tpu.memory_space<hbm>>) dst(%arg6 : memref<128x128xf32, #tpu.memory_space<vmem>>)
      "tpu.region"() ({
        %run_scoped3A = tpu.sem_alloc : memref<!tpu.dma_semaphore, #tpu.memory_space<semaphore_mem>>
        %dma_start3A_19 = arith.constant 0 : i32
        %dma_start3A_20 = tpu.memref_slice %arg4[%add3A_14, %dma_start3A_19] : memref<32768x128xf32, #tpu.memory_space<hbm>> -> memref<128x128xf32, #tpu.memory_space<hbm>>
        %dma_start3A_21 = arith.constant 0 : i32
        %dma_start3A_22 = tpu.memref_slice %arg4[%add3A_14, %dma_start3A_21] : memref<32768x128xf32, #tpu.memory_space<hbm>> -> memref<128x128xf32, #tpu.memory_space<hbm>>
        tpu.enqueue_dma source(%arg6 : memref<128x128xf32, #tpu.memory_space<vmem>>) target(%dma_start3A_22 : memref<128x128xf32, #tpu.memory_space<hbm>>) target_semaphore(%run_scoped3A : memref<!tpu.dma_semaphore, #tpu.memory_space<semaphore_mem>>)
        %dma_wait3A_23 = arith.constant 0 : i32
        %dma_wait3A_24 = tpu.memref_slice %arg4[%add3A_14, %dma_wait3A_23] : memref<32768x128xf32, #tpu.memory_space<hbm>> -> memref<128x128xf32, #tpu.memory_space<hbm>>
        %dma_wait3A_25 = arith.constant 0 : i32
        %dma_wait3A_26 = tpu.memref_slice %arg4[%add3A_14, %dma_wait3A_25] : memref<32768x128xf32, #tpu.memory_space<hbm>> -> memref<128x128xf32, #tpu.memory_space<hbm>>
        tpu.wait_dma2 semaphore(%run_scoped3A : memref<!tpu.dma_semaphore, #tpu.memory_space<semaphore_mem>>) src(%arg6 : memref<128x128xf32, #tpu.memory_space<vmem>>) dst(%dma_wait3A_26 : memref<128x128xf32, #tpu.memory_space<hbm>>)
        tpu.yield
      }) : () -> ()
    }
    %scan3A_6 = arith.constant 8 : i32
    return
  }
}

#map = affine_map<(d0, d1) -> (0, 0)>
#map1 = affine_map<(d0, d1) -> (0)>
module attributes {stable_mosaic.version = 14 : i64} {
  func.func @gather_kernel(%arg0: i32, %arg1: i32, %arg2: memref<8192x128xf32, #tpu.memory_space<hbm>>, %arg3: memref<32768xi32, #tpu.memory_space<hbm>>, %arg4: memref<32768x128xf32, #tpu.memory_space<hbm>>, %arg5: memref<128xi32, #tpu.memory_space<vmem>>, %arg6: memref<128x128xf32, #tpu.memory_space<vmem>>, %arg7: memref<!tpu.dma_semaphore, #tpu.memory_space<semaphore_mem>>) attributes {dimension_semantics = [#tpu.dimension_semantics<core_parallel>, #tpu.dimension_semantics<subcore_parallel>], iteration_bounds = array<i64: 2, 16>, scalar_prefetch = 0 : i64, scratch_operands = 3 : i64, tpu.core_type = #tpu.core_type<sc_vector_subcore>, window_params = [{transform_indices = #map}, {transform_indices = #map1}, {transform_indices = #map}]} {
    %mul3A = arith.constant 2 : i32
    %mul3A_0 = arith.muli %arg1, %mul3A : i32
    %add3A = arith.addi %mul3A_0, %arg0 : i32
    %mul3A_1 = arith.constant 1024 : i32
    %mul3A_2 = arith.muli %add3A, %mul3A_1 : i32
    %scan3A = arith.constant 0 : i32
    %scan3A_3 = arith.constant 8 : i32
    %scan3A_4 = arith.addi %scan3A, %scan3A_3 : i32
    %scan3A_5 = arith.constant 1 : i32
    scf.for %scan3A_7 = %scan3A to %scan3A_4 step %scan3A_5  : i32 {
      %mul3A_8 = arith.constant 1 : i32
      %mul3A_9 = arith.muli %scan3A_7, %mul3A_8 : i32
      %add3A_10 = arith.constant 0 : i32
      %add3A_11 = arith.addi %add3A_10, %mul3A_9 : i32
      %mul3A_12 = arith.constant 128 : i32
      %mul3A_13 = arith.muli %add3A_11, %mul3A_12 : i32
      %add3A_14 = arith.addi %mul3A_2, %mul3A_13 : i32
      "tpu.region"() ({
        %run_scoped3A = tpu.sem_alloc : memref<!tpu.dma_semaphore, #tpu.memory_space<semaphore_mem>>
        %dma_start3A_19 = tpu.memref_slice %arg3[%add3A_14] : memref<32768xi32, #tpu.memory_space<hbm>> -> memref<128xi32, #tpu.memory_space<hbm>>
        %dma_start3A_20 = tpu.memref_slice %arg3[%add3A_14] : memref<32768xi32, #tpu.memory_space<hbm>> -> memref<128xi32, #tpu.memory_space<hbm>>
        tpu.enqueue_dma source(%dma_start3A_20 : memref<128xi32, #tpu.memory_space<hbm>>) target(%arg5 : memref<128xi32, #tpu.memory_space<vmem>>) target_semaphore(%run_scoped3A : memref<!tpu.dma_semaphore, #tpu.memory_space<semaphore_mem>>)
        %dma_wait3A_21 = tpu.memref_slice %arg3[%add3A_14] : memref<32768xi32, #tpu.memory_space<hbm>> -> memref<128xi32, #tpu.memory_space<hbm>>
        %dma_wait3A_22 = tpu.memref_slice %arg3[%add3A_14] : memref<32768xi32, #tpu.memory_space<hbm>> -> memref<128xi32, #tpu.memory_space<hbm>>
        tpu.wait_dma2 semaphore(%run_scoped3A : memref<!tpu.dma_semaphore, #tpu.memory_space<semaphore_mem>>) src(%dma_wait3A_22 : memref<128xi32, #tpu.memory_space<hbm>>) dst(%arg5 : memref<128xi32, #tpu.memory_space<vmem>>)
        tpu.yield
      }) : () -> ()
      %dma_start3A = arith.constant 0 : i32
      %dma_start3A_15 = arith.constant 0 : i32
      %dma_start3A_16 = tpu.memref_slice %arg2[%dma_start3A, %dma_start3A_15] : memref<8192x128xf32, #tpu.memory_space<hbm>> -> memref<8192x128xf32, #tpu.memory_space<hbm>>
      tpu.enqueue_indirect_dma source(%dma_start3A_16 : memref<8192x128xf32, #tpu.memory_space<hbm>>) target(%arg6 : memref<128x128xf32, #tpu.memory_space<vmem>>) offsets(%arg5 : memref<128xi32, #tpu.memory_space<vmem>>) semaphore(%arg7 : memref<!tpu.dma_semaphore, #tpu.memory_space<semaphore_mem>>)
      %dma_wait3A = arith.constant 0 : i32
      %dma_wait3A_17 = arith.constant 0 : i32
      %dma_wait3A_18 = tpu.memref_slice %arg2[%dma_wait3A, %dma_wait3A_17] : memref<8192x128xf32, #tpu.memory_space<hbm>> -> memref<8192x128xf32, #tpu.memory_space<hbm>>
      tpu.wait_indirect_dma semaphore(%arg7 : memref<!tpu.dma_semaphore, #tpu.memory_space<semaphore_mem>>) src(%dma_wait3A_18 : memref<8192x128xf32, #tpu.memory_space<hbm>>) dst(%arg6 : memref<128x128xf32, #tpu.memory_space<vmem>>)
      "tpu.region"() ({
        %run_scoped3A = tpu.sem_alloc : memref<!tpu.dma_semaphore, #tpu.memory_space<semaphore_mem>>
        %dma_start3A_19 = arith.constant 0 : i32
        %dma_start3A_20 = tpu.memref_slice %arg4[%add3A_14, %dma_start3A_19] : memref<32768x128xf32, #tpu.memory_space<hbm>> -> memref<128x128xf32, #tpu.memory_space<hbm>>
        %dma_start3A_21 = arith.constant 0 : i32
        %dma_start3A_22 = tpu.memref_slice %arg4[%add3A_14, %dma_start3A_21] : memref<32768x128xf32, #tpu.memory_space<hbm>> -> memref<128x128xf32, #tpu.memory_space<hbm>>
        tpu.enqueue_dma source(%arg6 : memref<128x128xf32, #tpu.memory_space<vmem>>) target(%dma_start3A_22 : memref<128x128xf32, #tpu.memory_space<hbm>>) target_semaphore(%run_scoped3A : memref<!tpu.dma_semaphore, #tpu.memory_space<semaphore_mem>>)
        %dma_wait3A_23 = arith.constant 0 : i32
        %dma_wait3A_24 = tpu.memref_slice %arg4[%add3A_14, %dma_wait3A_23] : memref<32768x128xf32, #tpu.memory_space<hbm>> -> memref<128x128xf32, #tpu.memory_space<hbm>>
        %dma_wait3A_25 = arith.constant 0 : i32
        %dma_wait3A_26 = tpu.memref_slice %arg4[%add3A_14, %dma_wait3A_25] : memref<32768x128xf32, #tpu.memory_space<hbm>> -> memref<128x128xf32, #tpu.memory_space<hbm>>
        tpu.wait_dma2 semaphore(%run_scoped3A : memref<!tpu.dma_semaphore, #tpu.memory_space<semaphore_mem>>) src(%arg6 : memref<128x128xf32, #tpu.memory_space<vmem>>) dst(%dma_wait3A_26 : memref<128x128xf32, #tpu.memory_space<hbm>>)
        tpu.yield
      }) : () -> ()
    }
    %scan3A_6 = arith.constant 8 : i32
    return
  }
}

#map = affine_map<(d0, d1) -> (0, 0)>
#map1 = affine_map<(d0, d1) -> (0)>
module attributes {stable_mosaic.version = 14 : i64} {
  func.func @gather_kernel(%arg0: i32, %arg1: i32, %arg2: memref<8192x128xf32, #tpu.memory_space<hbm>>, %arg3: memref<32768xi32, #tpu.memory_space<hbm>>, %arg4: memref<32768x128xf32, #tpu.memory_space<hbm>>, %arg5: memref<128xi32, #tpu.memory_space<vmem>>, %arg6: memref<128x128xf32, #tpu.memory_space<vmem>>, %arg7: memref<!tpu.dma_semaphore, #tpu.memory_space<semaphore_mem>>) attributes {dimension_semantics = [#tpu.dimension_semantics<core_parallel>, #tpu.dimension_semantics<subcore_parallel>], iteration_bounds = array<i64: 2, 16>, scalar_prefetch = 0 : i64, scratch_operands = 3 : i64, tpu.core_type = #tpu.core_type<sc_vector_subcore>, window_params = [{transform_indices = #map}, {transform_indices = #map1}, {transform_indices = #map}]} {
    %mul3A = arith.constant 2 : i32
    %mul3A_0 = arith.muli %arg1, %mul3A : i32
    %add3A = arith.addi %mul3A_0, %arg0 : i32
    %mul3A_1 = arith.constant 1024 : i32
    %mul3A_2 = arith.muli %add3A, %mul3A_1 : i32
    %scan3A = arith.constant 0 : i32
    %scan3A_3 = arith.constant 8 : i32
    %scan3A_4 = arith.addi %scan3A, %scan3A_3 : i32
    %scan3A_5 = arith.constant 1 : i32
    scf.for %scan3A_7 = %scan3A to %scan3A_4 step %scan3A_5  : i32 {
      %mul3A_8 = arith.constant 1 : i32
      %mul3A_9 = arith.muli %scan3A_7, %mul3A_8 : i32
      %add3A_10 = arith.constant 0 : i32
      %add3A_11 = arith.addi %add3A_10, %mul3A_9 : i32
      %mul3A_12 = arith.constant 128 : i32
      %mul3A_13 = arith.muli %add3A_11, %mul3A_12 : i32
      %add3A_14 = arith.addi %mul3A_2, %mul3A_13 : i32
      "tpu.region"() ({
        %run_scoped3A = tpu.sem_alloc : memref<!tpu.dma_semaphore, #tpu.memory_space<semaphore_mem>>
        %dma_start3A_19 = tpu.memref_slice %arg3[%add3A_14] : memref<32768xi32, #tpu.memory_space<hbm>> -> memref<128xi32, #tpu.memory_space<hbm>>
        %dma_start3A_20 = tpu.memref_slice %arg3[%add3A_14] : memref<32768xi32, #tpu.memory_space<hbm>> -> memref<128xi32, #tpu.memory_space<hbm>>
        tpu.enqueue_dma source(%dma_start3A_20 : memref<128xi32, #tpu.memory_space<hbm>>) target(%arg5 : memref<128xi32, #tpu.memory_space<vmem>>) target_semaphore(%run_scoped3A : memref<!tpu.dma_semaphore, #tpu.memory_space<semaphore_mem>>)
        %dma_wait3A_21 = tpu.memref_slice %arg3[%add3A_14] : memref<32768xi32, #tpu.memory_space<hbm>> -> memref<128xi32, #tpu.memory_space<hbm>>
        %dma_wait3A_22 = tpu.memref_slice %arg3[%add3A_14] : memref<32768xi32, #tpu.memory_space<hbm>> -> memref<128xi32, #tpu.memory_space<hbm>>
        tpu.wait_dma2 semaphore(%run_scoped3A : memref<!tpu.dma_semaphore, #tpu.memory_space<semaphore_mem>>) src(%dma_wait3A_22 : memref<128xi32, #tpu.memory_space<hbm>>) dst(%arg5 : memref<128xi32, #tpu.memory_space<vmem>>)
        tpu.yield
      }) : () -> ()
      %dma_start3A = arith.constant 0 : i32
      %dma_start3A_15 = arith.constant 0 : i32
      %dma_start3A_16 = tpu.memref_slice %arg2[%dma_start3A, %dma_start3A_15] : memref<8192x128xf32, #tpu.memory_space<hbm>> -> memref<8192x128xf32, #tpu.memory_space<hbm>>
      tpu.enqueue_indirect_dma source(%dma_start3A_16 : memref<8192x128xf32, #tpu.memory_space<hbm>>) target(%arg6 : memref<128x128xf32, #tpu.memory_space<vmem>>) offsets(%arg5 : memref<128xi32, #tpu.memory_space<vmem>>) semaphore(%arg7 : memref<!tpu.dma_semaphore, #tpu.memory_space<semaphore_mem>>)
      %dma_wait3A = arith.constant 0 : i32
      %dma_wait3A_17 = arith.constant 0 : i32
      %dma_wait3A_18 = tpu.memref_slice %arg2[%dma_wait3A, %dma_wait3A_17] : memref<8192x128xf32, #tpu.memory_space<hbm>> -> memref<8192x128xf32, #tpu.memory_space<hbm>>
      tpu.wait_indirect_dma semaphore(%arg7 : memref<!tpu.dma_semaphore, #tpu.memory_space<semaphore_mem>>) src(%dma_wait3A_18 : memref<8192x128xf32, #tpu.memory_space<hbm>>) dst(%arg6 : memref<128x128xf32, #tpu.memory_space<vmem>>)
      "tpu.region"() ({
        %run_scoped3A = tpu.sem_alloc : memref<!tpu.dma_semaphore, #tpu.memory_space<semaphore_mem>>
        %dma_start3A_19 = arith.constant 0 : i32
        %dma_start3A_20 = tpu.memref_slice %arg4[%add3A_14, %dma_start3A_19] : memref<32768x128xf32, #tpu.memory_space<hbm>> -> memref<128x128xf32, #tpu.memory_space<hbm>>
        %dma_start3A_21 = arith.constant 0 : i32
        %dma_start3A_22 = tpu.memref_slice %arg4[%add3A_14, %dma_start3A_21] : memref<32768x128xf32, #tpu.memory_space<hbm>> -> memref<128x128xf32, #tpu.memory_space<hbm>>
        tpu.enqueue_dma source(%arg6 : memref<128x128xf32, #tpu.memory_space<vmem>>) target(%dma_start3A_22 : memref<128x128xf32, #tpu.memory_space<hbm>>) target_semaphore(%run_scoped3A : memref<!tpu.dma_semaphore, #tpu.memory_space<semaphore_mem>>)
        %dma_wait3A_23 = arith.constant 0 : i32
        %dma_wait3A_24 = tpu.memref_slice %arg4[%add3A_14, %dma_wait3A_23] : memref<32768x128xf32, #tpu.memory_space<hbm>> -> memref<128x128xf32, #tpu.memory_space<hbm>>
        %dma_wait3A_25 = arith.constant 0 : i32
        %dma_wait3A_26 = tpu.memref_slice %arg4[%add3A_14, %dma_wait3A_25] : memref<32768x128xf32, #tpu.memory_space<hbm>> -> memref<128x128xf32, #tpu.memory_space<hbm>>
        tpu.wait_dma2 semaphore(%run_scoped3A : memref<!tpu.dma_semaphore, #tpu.memory_space<semaphore_mem>>) src(%arg6 : memref<128x128xf32, #tpu.memory_space<vmem>>) dst(%dma_wait3A_26 : memref<128x128xf32, #tpu.memory_space<hbm>>)
        tpu.yield
      }) : () -> ()
    }
    %scan3A_6 = arith.constant 8 : i32
    return
  }
}

#map = affine_map<(d0, d1) -> (0, 0)>
#map1 = affine_map<(d0, d1) -> (0)>
module attributes {stable_mosaic.version = 14 : i64} {
  func.func @gather_kernel(%arg0: i32, %arg1: i32, %arg2: memref<8192x128xf32, #tpu.memory_space<hbm>>, %arg3: memref<32768xi32, #tpu.memory_space<hbm>>, %arg4: memref<32768x128xf32, #tpu.memory_space<hbm>>, %arg5: memref<128xi32, #tpu.memory_space<vmem>>, %arg6: memref<128x128xf32, #tpu.memory_space<vmem>>, %arg7: memref<!tpu.dma_semaphore, #tpu.memory_space<semaphore_mem>>) attributes {dimension_semantics = [#tpu.dimension_semantics<core_parallel>, #tpu.dimension_semantics<subcore_parallel>], iteration_bounds = array<i64: 2, 16>, scalar_prefetch = 0 : i64, scratch_operands = 3 : i64, tpu.core_type = #tpu.core_type<sc_vector_subcore>, window_params = [{transform_indices = #map}, {transform_indices = #map1}, {transform_indices = #map}]} {
    %mul3A = arith.constant 2 : i32
    %mul3A_0 = arith.muli %arg1, %mul3A : i32
    %add3A = arith.addi %mul3A_0, %arg0 : i32
    %mul3A_1 = arith.constant 1024 : i32
    %mul3A_2 = arith.muli %add3A, %mul3A_1 : i32
    %scan3A = arith.constant 0 : i32
    %scan3A_3 = arith.constant 8 : i32
    %scan3A_4 = arith.addi %scan3A, %scan3A_3 : i32
    %scan3A_5 = arith.constant 1 : i32
    scf.for %scan3A_7 = %scan3A to %scan3A_4 step %scan3A_5  : i32 {
      %mul3A_8 = arith.constant 1 : i32
      %mul3A_9 = arith.muli %scan3A_7, %mul3A_8 : i32
      %add3A_10 = arith.constant 0 : i32
      %add3A_11 = arith.addi %add3A_10, %mul3A_9 : i32
      %mul3A_12 = arith.constant 128 : i32
      %mul3A_13 = arith.muli %add3A_11, %mul3A_12 : i32
      %add3A_14 = arith.addi %mul3A_2, %mul3A_13 : i32
      "tpu.region"() ({
        %run_scoped3A = tpu.sem_alloc : memref<!tpu.dma_semaphore, #tpu.memory_space<semaphore_mem>>
        %dma_start3A_19 = tpu.memref_slice %arg3[%add3A_14] : memref<32768xi32, #tpu.memory_space<hbm>> -> memref<128xi32, #tpu.memory_space<hbm>>
        %dma_start3A_20 = tpu.memref_slice %arg3[%add3A_14] : memref<32768xi32, #tpu.memory_space<hbm>> -> memref<128xi32, #tpu.memory_space<hbm>>
        tpu.enqueue_dma source(%dma_start3A_20 : memref<128xi32, #tpu.memory_space<hbm>>) target(%arg5 : memref<128xi32, #tpu.memory_space<vmem>>) target_semaphore(%run_scoped3A : memref<!tpu.dma_semaphore, #tpu.memory_space<semaphore_mem>>)
        %dma_wait3A_21 = tpu.memref_slice %arg3[%add3A_14] : memref<32768xi32, #tpu.memory_space<hbm>> -> memref<128xi32, #tpu.memory_space<hbm>>
        %dma_wait3A_22 = tpu.memref_slice %arg3[%add3A_14] : memref<32768xi32, #tpu.memory_space<hbm>> -> memref<128xi32, #tpu.memory_space<hbm>>
        tpu.wait_dma2 semaphore(%run_scoped3A : memref<!tpu.dma_semaphore, #tpu.memory_space<semaphore_mem>>) src(%dma_wait3A_22 : memref<128xi32, #tpu.memory_space<hbm>>) dst(%arg5 : memref<128xi32, #tpu.memory_space<vmem>>)
        tpu.yield
      }) : () -> ()
      %dma_start3A = arith.constant 0 : i32
      %dma_start3A_15 = arith.constant 0 : i32
      %dma_start3A_16 = tpu.memref_slice %arg2[%dma_start3A, %dma_start3A_15] : memref<8192x128xf32, #tpu.memory_space<hbm>> -> memref<8192x128xf32, #tpu.memory_space<hbm>>
      tpu.enqueue_indirect_dma source(%dma_start3A_16 : memref<8192x128xf32, #tpu.memory_space<hbm>>) target(%arg6 : memref<128x128xf32, #tpu.memory_space<vmem>>) offsets(%arg5 : memref<128xi32, #tpu.memory_space<vmem>>) semaphore(%arg7 : memref<!tpu.dma_semaphore, #tpu.memory_space<semaphore_mem>>)
      %dma_wait3A = arith.constant 0 : i32
      %dma_wait3A_17 = arith.constant 0 : i32
      %dma_wait3A_18 = tpu.memref_slice %arg2[%dma_wait3A, %dma_wait3A_17] : memref<8192x128xf32, #tpu.memory_space<hbm>> -> memref<8192x128xf32, #tpu.memory_space<hbm>>
      tpu.wait_indirect_dma semaphore(%arg7 : memref<!tpu.dma_semaphore, #tpu.memory_space<semaphore_mem>>) src(%dma_wait3A_18 : memref<8192x128xf32, #tpu.memory_space<hbm>>) dst(%arg6 : memref<128x128xf32, #tpu.memory_space<vmem>>)
      "tpu.region"() ({
        %run_scoped3A = tpu.sem_alloc : memref<!tpu.dma_semaphore, #tpu.memory_space<semaphore_mem>>
        %dma_start3A_19 = arith.constant 0 : i32
        %dma_start3A_20 = tpu.memref_slice %arg4[%add3A_14, %dma_start3A_19] : memref<32768x128xf32, #tpu.memory_space<hbm>> -> memref<128x128xf32, #tpu.memory_space<hbm>>
        %dma_start3A_21 = arith.constant 0 : i32
        %dma_start3A_22 = tpu.memref_slice %arg4[%add3A_14, %dma_start3A_21] : memref<32768x128xf32, #tpu.memory_space<hbm>> -> memref<128x128xf32, #tpu.memory_space<hbm>>
        tpu.enqueue_dma source(%arg6 : memref<128x128xf32, #tpu.memory_space<vmem>>) target(%dma_start3A_22 : memref<128x128xf32, #tpu.memory_space<hbm>>) target_semaphore(%run_scoped3A : memref<!tpu.dma_semaphore, #tpu.memory_space<semaphore_mem>>)
        %dma_wait3A_23 = arith.constant 0 : i32
        %dma_wait3A_24 = tpu.memref_slice %arg4[%add3A_14, %dma_wait3A_23] : memref<32768x128xf32, #tpu.memory_space<hbm>> -> memref<128x128xf32, #tpu.memory_space<hbm>>
        %dma_wait3A_25 = arith.constant 0 : i32
        %dma_wait3A_26 = tpu.memref_slice %arg4[%add3A_14, %dma_wait3A_25] : memref<32768x128xf32, #tpu.memory_space<hbm>> -> memref<128x128xf32, #tpu.memory_space<hbm>>
        tpu.wait_dma2 semaphore(%run_scoped3A : memref<!tpu.dma_semaphore, #tpu.memory_space<semaphore_mem>>) src(%arg6 : memref<128x128xf32, #tpu.memory_space<vmem>>) dst(%dma_wait3A_26 : memref<128x128xf32, #tpu.memory_space<hbm>>)
        tpu.yield
      }) : () -> ()
    }
    %scan3A_6 = arith.constant 8 : i32
    return
  }
}

module attributes {stable_mosaic.version = 14 : i64} {
  func.func @_update_body(%arg0: i32, %arg1: memref<2048x32xf32, #tpu.memory_space<vmem>>, %arg2: memref<2048x128xf32, #tpu.memory_space<vmem>>, %arg3: memref<2048x32xf32, #tpu.memory_space<vmem>>) attributes {dimension_semantics = [#tpu.dimension_semantics<parallel>], iteration_bounds = array<i64: 16>, scalar_prefetch = 0 : i64, scratch_operands = 0 : i64, tpu.core_type = #tpu.core_type<tc>, window_params = [{transform_indices = @transform_0, window_bounds = array<i64: 2048, 32>}, {transform_indices = @transform_1, window_bounds = array<i64: 2048, 128>}, {transform_indices = @transform_2, window_bounds = array<i64: 2048, 32>}]} {
    %get3A = arith.constant 0 : index
    %get3A_0 = arith.constant 0 : index
    %get3A_1 = vector.load %arg1[%get3A, %get3A_0] : memref<2048x32xf32, #tpu.memory_space<vmem>>, vector<2048x32xf32>
    %get3A_2 = arith.constant 0 : index
    %get3A_3 = arith.constant 0 : index
    %get3A_4 = vector.load %arg2[%get3A_2, %get3A_3] : memref<2048x128xf32, #tpu.memory_space<vmem>>, vector<2048x32xf32>
    %sub3A = arith.subf %get3A_1, %get3A_4 : vector<2048x32xf32>
    %swap3A = arith.constant 0 : index
    %swap3A_5 = arith.constant 0 : index
    %swap3A_6 = vector.load %arg3[%swap3A, %swap3A_5] : memref<2048x32xf32, #tpu.memory_space<vmem>>, vector<2048x32xf32>
    tpu.vector_store %arg3[%swap3A, %swap3A_5], %sub3A {strides = array<i32>} : memref<2048x32xf32, #tpu.memory_space<vmem>>, vector<2048x32xf32>,
    return
  }
  func.func @transform_0(%arg0: i32) -> (i32, i32) {
    %c0_i32 = arith.constant 0 : i32
    %c0_i32_0 = arith.constant 0 : i32
    return %arg0, %c0_i32 : i32, i32
  }
  func.func @transform_1(%arg0: i32) -> (i32, i32) {
    %c0_i32 = arith.constant 0 : i32
    %c0_i32_0 = arith.constant 0 : i32
    return %arg0, %c0_i32 : i32, i32
  }
  func.func @transform_2(%arg0: i32) -> (i32, i32) {
    %c0_i32 = arith.constant 0 : i32
    %c0_i32_0 = arith.constant 0 : i32
    return %arg0, %c0_i32 : i32, i32
  }
}

module attributes {stable_mosaic.version = 14 : i64} {
  func.func @_argmin_body(%arg0: i32, %arg1: memref<256x32xf32, #tpu.memory_space<vmem>>, %arg2: memref<256x1xf32, #tpu.memory_space<vmem>>, %arg3: memref<1x8192xf32, #tpu.memory_space<vmem>>, %arg4: memref<1x8192xf32, #tpu.memory_space<vmem>>, %arg5: memref<32x8192xf32, #tpu.memory_space<vmem>>, %arg6: memref<1x1x256xi32, #tpu.memory_space<vmem>>, %arg7: memref<1x1x256xf32, #tpu.memory_space<vmem>>) attributes {dimension_semantics = [#tpu.dimension_semantics<parallel>], iteration_bounds = array<i64: 128>, scalar_prefetch = 0 : i64, scratch_operands = 0 : i64, tpu.core_type = #tpu.core_type<tc>, window_params = [{transform_indices = @transform_0, window_bounds = array<i64: 256, 32>}, {transform_indices = @transform_1, window_bounds = array<i64: 256, 1>}, {pipeline_mode = #tpu.pipeline_mode<synchronous>, transform_indices = @transform_2, window_bounds = array<i64: 1, 8192>}, {pipeline_mode = #tpu.pipeline_mode<synchronous>, transform_indices = @transform_3, window_bounds = array<i64: 1, 8192>}, {pipeline_mode = #tpu.pipeline_mode<synchronous>, transform_indices = @transform_4, window_bounds = array<i64: 32, 8192>}, {transform_indices = @transform_5, window_bounds = array<i64: 1, 1, 256>}, {transform_indices = @transform_6, window_bounds = array<i64: 1, 1, 256>}]} {
    %get3A = arith.constant 0 : index
    %get3A_0 = arith.constant 0 : index
    %get3A_1 = vector.load %arg1[%get3A, %get3A_0] : memref<256x32xf32, #tpu.memory_space<vmem>>, vector<256x32xf32>
    %get3A_2 = arith.constant 0 : index
    %get3A_3 = arith.constant 0 : index
    %get3A_4 = vector.load %arg2[%get3A_2, %get3A_3] : memref<256x1xf32, #tpu.memory_space<vmem>>, vector<256x1xf32>
    %get3A_5 = arith.constant 0 : index
    %get3A_6 = arith.constant 0 : index
    %get3A_7 = vector.load %arg5[%get3A_5, %get3A_6] : memref<32x8192xf32, #tpu.memory_space<vmem>>, vector<32x2048xf32>
    %convert_element_type3A = arith.truncf %get3A_1 : vector<256x32xf32> to vector<256x32xbf16>
    %convert_element_type3A_8 = arith.truncf %get3A_7 : vector<32x2048xf32> to vector<32x2048xbf16>
    %dot_general3A = arith.constant dense<0.000000e+00> : vector<256x2048xf32>
    %dot_general3A_9 = tpu.matmul %convert_element_type3A, %convert_element_type3A_8, %dot_general3A {dimension_numbers = #tpu.dot_dimension_numbers<[1], [0], [0], [1], [0, 0, 1, 1], [], []>, transpose_lhs_hint = false} : vector<256x32xbf16>, vector<32x2048xbf16>, vector<256x2048xf32> -> vector<256x2048xf32>
    %get3A_10 = arith.constant 0 : index
    %get3A_11 = arith.constant 0 : index
    %get3A_12 = vector.load %arg3[%get3A_10, %get3A_11] : memref<1x8192xf32, #tpu.memory_space<vmem>>, vector<1x2048xf32>
    %sub3A = vector.broadcast %get3A_4 : vector<256x1xf32> to vector<256x2048xf32>
    %sub3A_13 = arith.subf %sub3A, %dot_general3A_9 : vector<256x2048xf32>
    %add3A = vector.broadcast %get3A_12 : vector<1x2048xf32> to vector<256x2048xf32>
    %add3A_14 = arith.addf %sub3A_13, %add3A : vector<256x2048xf32>
    %reduce_min3A = arith.constant dense<0x7F800000> : vector<256xf32>
    %reduce_min3A_15 = vector.multi_reduction <minimumf>, %add3A_14, %reduce_min3A [1] : vector<256x2048xf32> to vector<256xf32>
    %broadcast_in_dim3A = vector.shape_cast %reduce_min3A_15 : vector<256xf32> to vector<256x1xf32>
    %get3A_16 = arith.constant 0 : index
    %get3A_17 = arith.constant 0 : index
    %get3A_18 = vector.load %arg4[%get3A_16, %get3A_17] : memref<1x8192xf32, #tpu.memory_space<vmem>>, vector<1x2048xf32>
    %eq3A = vector.broadcast %broadcast_in_dim3A : vector<256x1xf32> to vector<256x2048xf32>
    %eq3A_19 = arith.cmpf oeq, %add3A_14, %eq3A : vector<256x2048xf32>
    %jit3A = arith.constant 8.192000e+03 : f32
    %broadcast_in_dim3A_20 = vector.shape_cast %get3A_18 : vector<1x2048xf32> to vector<1x2048xf32>
    %broadcast_in_dim3A_21 = vector.broadcast %broadcast_in_dim3A_20 : vector<1x2048xf32> to vector<256x2048xf32>
    %broadcast_in_dim3A_22 = vector.broadcast %jit3A : f32 to vector<256x2048xf32>
    %select_n3A = arith.select %eq3A_19, %broadcast_in_dim3A_21, %broadcast_in_dim3A_22 : vector<256x2048xi1>, vector<256x2048xf32>
    %reduce_min3A_23 = arith.constant dense<0x7F800000> : vector<256xf32>
    %reduce_min3A_24 = vector.multi_reduction <minimumf>, %select_n3A, %reduce_min3A_23 [1] : vector<256x2048xf32> to vector<256xf32>
    %squeeze3A = vector.shape_cast %broadcast_in_dim3A : vector<256x1xf32> to vector<256xf32>
    %get3A_25 = arith.constant 0 : index
    %get3A_26 = arith.constant 2048 : index
    %get3A_27 = vector.load %arg5[%get3A_25, %get3A_26] : memref<32x8192xf32, #tpu.memory_space<vmem>>, vector<32x2048xf32>
    %convert_element_type3A_28 = arith.truncf %get3A_1 : vector<256x32xf32> to vector<256x32xbf16>
    %convert_element_type3A_29 = arith.truncf %get3A_27 : vector<32x2048xf32> to vector<32x2048xbf16>
    %dot_general3A_30 = arith.constant dense<0.000000e+00> : vector<256x2048xf32>
    %dot_general3A_31 = tpu.matmul %convert_element_type3A_28, %convert_element_type3A_29, %dot_general3A_30 {dimension_numbers = #tpu.dot_dimension_numbers<[1], [0], [0], [1], [0, 0, 1, 1], [], []>, transpose_lhs_hint = false} : vector<256x32xbf16>, vector<32x2048xbf16>, vector<256x2048xf32> -> vector<256x2048xf32>
    %get3A_32 = arith.constant 0 : index
    %get3A_33 = arith.constant 2048 : index
    %get3A_34 = vector.load %arg3[%get3A_32, %get3A_33] : memref<1x8192xf32, #tpu.memory_space<vmem>>, vector<1x2048xf32>
    %sub3A_35 = vector.broadcast %get3A_4 : vector<256x1xf32> to vector<256x2048xf32>
    %sub3A_36 = arith.subf %sub3A_35, %dot_general3A_31 : vector<256x2048xf32>
    %add3A_37 = vector.broadcast %get3A_34 : vector<1x2048xf32> to vector<256x2048xf32>
    %add3A_38 = arith.addf %sub3A_36, %add3A_37 : vector<256x2048xf32>
    %reduce_min3A_39 = arith.constant dense<0x7F800000> : vector<256xf32>
    %reduce_min3A_40 = vector.multi_reduction <minimumf>, %add3A_38, %reduce_min3A_39 [1] : vector<256x2048xf32> to vector<256xf32>
    %broadcast_in_dim3A_41 = vector.shape_cast %reduce_min3A_40 : vector<256xf32> to vector<256x1xf32>
    %get3A_42 = arith.constant 0 : index
    %get3A_43 = arith.constant 2048 : index
    %get3A_44 = vector.load %arg4[%get3A_42, %get3A_43] : memref<1x8192xf32, #tpu.memory_space<vmem>>, vector<1x2048xf32>
    %eq3A_45 = vector.broadcast %broadcast_in_dim3A_41 : vector<256x1xf32> to vector<256x2048xf32>
    %eq3A_46 = arith.cmpf oeq, %add3A_38, %eq3A_45 : vector<256x2048xf32>
    %jit3A_47 = arith.constant 8.192000e+03 : f32
    %broadcast_in_dim3A_48 = vector.shape_cast %get3A_44 : vector<1x2048xf32> to vector<1x2048xf32>
    %broadcast_in_dim3A_49 = vector.broadcast %broadcast_in_dim3A_48 : vector<1x2048xf32> to vector<256x2048xf32>
    %broadcast_in_dim3A_50 = vector.broadcast %jit3A_47 : f32 to vector<256x2048xf32>
    %select_n3A_51 = arith.select %eq3A_46, %broadcast_in_dim3A_49, %broadcast_in_dim3A_50 : vector<256x2048xi1>, vector<256x2048xf32>
    %reduce_min3A_52 = arith.constant dense<0x7F800000> : vector<256xf32>
    %reduce_min3A_53 = vector.multi_reduction <minimumf>, %select_n3A_51, %reduce_min3A_52 [1] : vector<256x2048xf32> to vector<256xf32>
    %squeeze3A_54 = vector.shape_cast %broadcast_in_dim3A_41 : vector<256x1xf32> to vector<256xf32>
    %lt3A = arith.cmpf olt, %squeeze3A_54, %squeeze3A : vector<256xf32>
    %select_n3A_55 = arith.select %lt3A, %reduce_min3A_53, %reduce_min3A_24 : vector<256xi1>, vector<256xf32>
    %select_n3A_56 = arith.select %lt3A, %squeeze3A_54, %squeeze3A : vector<256xi1>, vector<256xf32>
    %get3A_57 = arith.constant 0 : index
    %get3A_58 = arith.constant 4096 : index
    %get3A_59 = vector.load %arg5[%get3A_57, %get3A_58] : memref<32x8192xf32, #tpu.memory_space<vmem>>, vector<32x2048xf32>
    %convert_element_type3A_60 = arith.truncf %get3A_1 : vector<256x32xf32> to vector<256x32xbf16>
    %convert_element_type3A_61 = arith.truncf %get3A_59 : vector<32x2048xf32> to vector<32x2048xbf16>
    %dot_general3A_62 = arith.constant dense<0.000000e+00> : vector<256x2048xf32>
    %dot_general3A_63 = tpu.matmul %convert_element_type3A_60, %convert_element_type3A_61, %dot_general3A_62 {dimension_numbers = #tpu.dot_dimension_numbers<[1], [0], [0], [1], [0, 0, 1, 1], [], []>, transpose_lhs_hint = false} : vector<256x32xbf16>, vector<32x2048xbf16>, vector<256x2048xf32> -> vector<256x2048xf32>
    %get3A_64 = arith.constant 0 : index
    %get3A_65 = arith.constant 4096 : index
    %get3A_66 = vector.load %arg3[%get3A_64, %get3A_65] : memref<1x8192xf32, #tpu.memory_space<vmem>>, vector<1x2048xf32>
    %sub3A_67 = vector.broadcast %get3A_4 : vector<256x1xf32> to vector<256x2048xf32>
    %sub3A_68 = arith.subf %sub3A_67, %dot_general3A_63 : vector<256x2048xf32>
    %add3A_69 = vector.broadcast %get3A_66 : vector<1x2048xf32> to vector<256x2048xf32>
    %add3A_70 = arith.addf %sub3A_68, %add3A_69 : vector<256x2048xf32>
    %reduce_min3A_71 = arith.constant dense<0x7F800000> : vector<256xf32>
    %reduce_min3A_72 = vector.multi_reduction <minimumf>, %add3A_70, %reduce_min3A_71 [1] : vector<256x2048xf32> to vector<256xf32>
    %broadcast_in_dim3A_73 = vector.shape_cast %reduce_min3A_72 : vector<256xf32> to vector<256x1xf32>
    %get3A_74 = arith.constant 0 : index
    %get3A_75 = arith.constant 4096 : index
    %get3A_76 = vector.load %arg4[%get3A_74, %get3A_75] : memref<1x8192xf32, #tpu.memory_space<vmem>>, vector<1x2048xf32>
    %eq3A_77 = vector.broadcast %broadcast_in_dim3A_73 : vector<256x1xf32> to vector<256x2048xf32>
    %eq3A_78 = arith.cmpf oeq, %add3A_70, %eq3A_77 : vector<256x2048xf32>
    %jit3A_79 = arith.constant 8.192000e+03 : f32
    %broadcast_in_dim3A_80 = vector.shape_cast %get3A_76 : vector<1x2048xf32> to vector<1x2048xf32>
    %broadcast_in_dim3A_81 = vector.broadcast %broadcast_in_dim3A_80 : vector<1x2048xf32> to vector<256x2048xf32>
    %broadcast_in_dim3A_82 = vector.broadcast %jit3A_79 : f32 to vector<256x2048xf32>
    %select_n3A_83 = arith.select %eq3A_78, %broadcast_in_dim3A_81, %broadcast_in_dim3A_82 : vector<256x2048xi1>, vector<256x2048xf32>
    %reduce_min3A_84 = arith.constant dense<0x7F800000> : vector<256xf32>
    %reduce_min3A_85 = vector.multi_reduction <minimumf>, %select_n3A_83, %reduce_min3A_84 [1] : vector<256x2048xf32> to vector<256xf32>
    %squeeze3A_86 = vector.shape_cast %broadcast_in_dim3A_73 : vector<256x1xf32> to vector<256xf32>
    %get3A_87 = arith.constant 0 : index
    %get3A_88 = arith.constant 6144 : index
    %get3A_89 = vector.load %arg5[%get3A_87, %get3A_88] : memref<32x8192xf32, #tpu.memory_space<vmem>>, vector<32x2048xf32>
    %convert_element_type3A_90 = arith.truncf %get3A_1 : vector<256x32xf32> to vector<256x32xbf16>
    %convert_element_type3A_91 = arith.truncf %get3A_89 : vector<32x2048xf32> to vector<32x2048xbf16>
    %dot_general3A_92 = arith.constant dense<0.000000e+00> : vector<256x2048xf32>
    %dot_general3A_93 = tpu.matmul %convert_element_type3A_90, %convert_element_type3A_91, %dot_general3A_92 {dimension_numbers = #tpu.dot_dimension_numbers<[1], [0], [0], [1], [0, 0, 1, 1], [], []>, transpose_lhs_hint = false} : vector<256x32xbf16>, vector<32x2048xbf16>, vector<256x2048xf32> -> vector<256x2048xf32>
    %get3A_94 = arith.constant 0 : index
    %get3A_95 = arith.constant 6144 : index
    %get3A_96 = vector.load %arg3[%get3A_94, %get3A_95] : memref<1x8192xf32, #tpu.memory_space<vmem>>, vector<1x2048xf32>
    %sub3A_97 = vector.broadcast %get3A_4 : vector<256x1xf32> to vector<256x2048xf32>
    %sub3A_98 = arith.subf %sub3A_97, %dot_general3A_93 : vector<256x2048xf32>
    %add3A_99 = vector.broadcast %get3A_96 : vector<1x2048xf32> to vector<256x2048xf32>
    %add3A_100 = arith.addf %sub3A_98, %add3A_99 : vector<256x2048xf32>
    %reduce_min3A_101 = arith.constant dense<0x7F800000> : vector<256xf32>
    %reduce_min3A_102 = vector.multi_reduction <minimumf>, %add3A_100, %reduce_min3A_101 [1] : vector<256x2048xf32> to vector<256xf32>
    %broadcast_in_dim3A_103 = vector.shape_cast %reduce_min3A_102 : vector<256xf32> to vector<256x1xf32>
    %get3A_104 = arith.constant 0 : index
    %get3A_105 = arith.constant 6144 : index
    %get3A_106 = vector.load %arg4[%get3A_104, %get3A_105] : memref<1x8192xf32, #tpu.memory_space<vmem>>, vector<1x2048xf32>
    %eq3A_107 = vector.broadcast %broadcast_in_dim3A_103 : vector<256x1xf32> to vector<256x2048xf32>
    %eq3A_108 = arith.cmpf oeq, %add3A_100, %eq3A_107 : vector<256x2048xf32>
    %jit3A_109 = arith.constant 8.192000e+03 : f32
    %broadcast_in_dim3A_110 = vector.shape_cast %get3A_106 : vector<1x2048xf32> to vector<1x2048xf32>
    %broadcast_in_dim3A_111 = vector.broadcast %broadcast_in_dim3A_110 : vector<1x2048xf32> to vector<256x2048xf32>
    %broadcast_in_dim3A_112 = vector.broadcast %jit3A_109 : f32 to vector<256x2048xf32>
    %select_n3A_113 = arith.select %eq3A_108, %broadcast_in_dim3A_111, %broadcast_in_dim3A_112 : vector<256x2048xi1>, vector<256x2048xf32>
    %reduce_min3A_114 = arith.constant dense<0x7F800000> : vector<256xf32>
    %reduce_min3A_115 = vector.multi_reduction <minimumf>, %select_n3A_113, %reduce_min3A_114 [1] : vector<256x2048xf32> to vector<256xf32>
    %squeeze3A_116 = vector.shape_cast %broadcast_in_dim3A_103 : vector<256x1xf32> to vector<256xf32>
    %lt3A_117 = arith.cmpf olt, %squeeze3A_116, %squeeze3A_86 : vector<256xf32>
    %select_n3A_118 = arith.select %lt3A_117, %reduce_min3A_115, %reduce_min3A_85 : vector<256xi1>, vector<256xf32>
    %select_n3A_119 = arith.select %lt3A_117, %squeeze3A_116, %squeeze3A_86 : vector<256xi1>, vector<256xf32>
    %convert_element_type3A_120 = arith.truncf %select_n3A_56 : vector<256xf32> to vector<256xbf16>
    %convert_element_type3A_121 = arith.extf %convert_element_type3A_120 : vector<256xbf16> to vector<256xf32>
    %lt3A_122 = arith.cmpf olt, %select_n3A_119, %convert_element_type3A_121 : vector<256xf32>
    %select_n3A_123 = arith.select %lt3A_122, %select_n3A_118, %select_n3A_55 : vector<256xi1>, vector<256xf32>
    %convert_element_type3A_124 = arith.fptosi %select_n3A_123 : vector<256xf32> to vector<256xi32>
    %swap3A = arith.constant 0 : index
    %swap3A_125 = arith.constant 0 : index
    %swap3A_126 = arith.constant 0 : index
    %swap3A_127 = vector.load %arg6[%swap3A, %swap3A_125, %swap3A_126] : memref<1x1x256xi32, #tpu.memory_space<vmem>>, vector<1x1x256xi32>
    %swap3A_128 = vector.shape_cast %swap3A_127 : vector<1x1x256xi32> to vector<256xi32>
    %swap3A_129 = vector.shape_cast %convert_element_type3A_124 : vector<256xi32> to vector<1x1x256xi32>
    tpu.vector_store %arg6[%swap3A, %swap3A_125, %swap3A_126], %swap3A_129 {strides = array<i32>} : memref<1x1x256xi32, #tpu.memory_space<vmem>>, vector<1x1x256xi32>,
    %select_n3A_130 = arith.select %lt3A_122, %select_n3A_119, %select_n3A_56 : vector<256xi1>, vector<256xf32>
    %swap3A_131 = arith.constant 0 : index
    %swap3A_132 = arith.constant 0 : index
    %swap3A_133 = arith.constant 0 : index
    %swap3A_134 = vector.load %arg7[%swap3A_131, %swap3A_132, %swap3A_133] : memref<1x1x256xf32, #tpu.memory_space<vmem>>, vector<1x1x256xf32>
    %swap3A_135 = vector.shape_cast %swap3A_134 : vector<1x1x256xf32> to vector<256xf32>
    %swap3A_136 = vector.shape_cast %select_n3A_130 : vector<256xf32> to vector<1x1x256xf32>
    tpu.vector_store %arg7[%swap3A_131, %swap3A_132, %swap3A_133], %swap3A_136 {strides = array<i32>} : memref<1x1x256xf32, #tpu.memory_space<vmem>>, vector<1x1x256xf32>,
    return
  }
  func.func @transform_0(%arg0: i32) -> (i32, i32) {
    %c0_i32 = arith.constant 0 : i32
    %c0_i32_0 = arith.constant 0 : i32
    return %arg0, %c0_i32 : i32, i32
  }
  func.func @transform_1(%arg0: i32) -> (i32, i32) {
    %c0_i32 = arith.constant 0 : i32
    %c0_i32_0 = arith.constant 0 : i32
    return %arg0, %c0_i32 : i32, i32
  }
  func.func @transform_2(%arg0: i32) -> (i32, i32) {
    %c0_i32 = arith.constant 0 : i32
    %c0_i32_0 = arith.constant 0 : i32
    %c0_i32_1 = arith.constant 0 : i32
    return %c0_i32, %c0_i32_0 : i32, i32
  }
  func.func @transform_3(%arg0: i32) -> (i32, i32) {
    %c0_i32 = arith.constant 0 : i32
    %c0_i32_0 = arith.constant 0 : i32
    %c0_i32_1 = arith.constant 0 : i32
    return %c0_i32, %c0_i32_0 : i32, i32
  }
  func.func @transform_4(%arg0: i32) -> (i32, i32) {
    %c0_i32 = arith.constant 0 : i32
    %c0_i32_0 = arith.constant 0 : i32
    %c0_i32_1 = arith.constant 0 : i32
    return %c0_i32, %c0_i32_0 : i32, i32
  }
  func.func @transform_5(%arg0: i32) -> (i32, i32, i32) {
    %c0_i32 = arith.constant 0 : i32
    %c0_i32_0 = arith.constant 0 : i32
    %c0_i32_1 = arith.constant 0 : i32
    return %arg0, %c0_i32, %c0_i32_0 : i32, i32, i32
  }
  func.func @transform_6(%arg0: i32) -> (i32, i32, i32) {
    %c0_i32 = arith.constant 0 : i32
    %c0_i32_0 = arith.constant 0 : i32
    %c0_i32_1 = arith.constant 0 : i32
    return %arg0, %c0_i32, %c0_i32_0 : i32, i32, i32
  }
}

module attributes {stable_mosaic.version = 14 : i64} {
  func.func @_combine_body(%arg0: i32, %arg1: memref<2048x32xf32, #tpu.memory_space<vmem>>, %arg2: memref<2048x32xf32, #tpu.memory_space<vmem>>, %arg3: memref<2048x128xf32, #tpu.memory_space<vmem>>, %arg4: memref<2048x32xf32, #tpu.memory_space<vmem>>) attributes {dimension_semantics = [#tpu.dimension_semantics<parallel>], iteration_bounds = array<i64: 16>, scalar_prefetch = 0 : i64, scratch_operands = 0 : i64, tpu.core_type = #tpu.core_type<tc>, window_params = [{transform_indices = @transform_0, window_bounds = array<i64: 2048, 32>}, {transform_indices = @transform_1, window_bounds = array<i64: 2048, 32>}, {transform_indices = @transform_2, window_bounds = array<i64: 2048, 128>}, {transform_indices = @transform_3, window_bounds = array<i64: 2048, 32>}]} {
    %get3A = arith.constant 0 : index
    %get3A_0 = arith.constant 0 : index
    %get3A_1 = vector.load %arg1[%get3A, %get3A_0] : memref<2048x32xf32, #tpu.memory_space<vmem>>, vector<2048x32xf32>
    %get3A_2 = arith.constant 0 : index
    %get3A_3 = arith.constant 0 : index
    %get3A_4 = vector.load %arg2[%get3A_2, %get3A_3] : memref<2048x32xf32, #tpu.memory_space<vmem>>, vector<2048x32xf32>
    %get3A_5 = arith.constant 0 : index
    %get3A_6 = arith.constant 0 : index
    %get3A_7 = vector.load %arg3[%get3A_5, %get3A_6] : memref<2048x128xf32, #tpu.memory_space<vmem>>, vector<2048x32xf32>
    %sub3A = arith.subf %get3A_4, %get3A_7 : vector<2048x32xf32>
    %sub3A_8 = arith.subf %get3A_1, %sub3A : vector<2048x32xf32>
    %swap3A = arith.constant 0 : index
    %swap3A_9 = arith.constant 0 : index
    %swap3A_10 = vector.load %arg4[%swap3A, %swap3A_9] : memref<2048x32xf32, #tpu.memory_space<vmem>>, vector<2048x32xf32>
    tpu.vector_store %arg4[%swap3A, %swap3A_9], %sub3A_8 {strides = array<i32>} : memref<2048x32xf32, #tpu.memory_space<vmem>>, vector<2048x32xf32>,
    return
  }
  func.func @transform_0(%arg0: i32) -> (i32, i32) {
    %c0_i32 = arith.constant 0 : i32
    %c0_i32_0 = arith.constant 0 : i32
    return %arg0, %c0_i32 : i32, i32
  }
  func.func @transform_1(%arg0: i32) -> (i32, i32) {
    %c0_i32 = arith.constant 0 : i32
    %c0_i32_0 = arith.constant 0 : i32
    return %arg0, %c0_i32 : i32, i32
  }
  func.func @transform_2(%arg0: i32) -> (i32, i32) {
    %c0_i32 = arith.constant 0 : i32
    %c0_i32_0 = arith.constant 0 : i32
    return %arg0, %c0_i32 : i32, i32
  }
  func.func @transform_3(%arg0: i32) -> (i32, i32) {
    %c0_i32 = arith.constant 0 : i32
    %c0_i32_0 = arith.constant 0 : i32
    return %arg0, %c0_i32 : i32, i32
  }
}

</mosaic_0001>

<sc_bundles>
// kernel: kernel.14.cloned.1.call-start
scs
__scs_entry_jumppad:
0x0: {  	(pc) =	sbr.rel $0x88, $3  }
0x1: {  	(tag) =	ssettag $0x0;
	lr =	simm.s32 $0x1  }
0x2: {  	[smem:$0x3F9F] =	sst lr;
	_ =	strace $0xD0000000  }
0x3: {  	_ = 	snop  }
0x4: {  	_ = 	snop  }
0x5: {  	_ = 	snop  }
0x6: {  	_ = 	snop  }
0x7: {  	_ = 	snop  }
__scs_overlays_trampoline_lowered:
0x8: {  	[smem:$0x3FAE] =	sst s0  }
0x9: {  	[smem:$0x3FAF] =	sst s1  }
0xa: {  	[smem:$0x3FB0] =	sst s2  }
0xb: {  	[smem:$0x3FB1] =	sst s3  }
0xc: {  	[smem:$0x3FB2] =	sst s4  }
0xd: {  	[smem:$0x3FB3] =	sst s5  }
0xe: {  	[smem:$0x3FB4] =	sst s6  }
0xf: {  	[smem:$0x3FB5] =	sst s7  }
0x10: {  	[smem:$0x3FB6] =	sst s8  }
0x11: {  	[smem:$0x3FB7] =	sst s9;
	s0 =	simm.s32 @!p0 $0x0  }
0x12: {  	s1 =	sld [smem:$0x3F9D];
	s0 =	simm.s32 @p0 $0x1  }
0x13: {  	[smem:$0x3FB8] =	sst s0;
	s0 =	simm.s32 @!p1 $0x0  }
0x14: {  	s2 =	sld [smem:$0x3F9C];
	s0 =	simm.s32 @p1 $0x1  }
0x15: {  	[smem:$0x3FB9] =	sst s0;
	s0 =	simm.s32 @!p2 $0x0  }
0x16: {  	s3 =	sld [smem:$0x3FDB];
	s0 =	simm.s32 @p2 $0x1  }
0x17: {  	s4 =	simm.s32 $0x1BF5;
	[smem:$0x3FBB] =	sst s0  }
0x18: {  	s0 =	sld [smem:$0x3F9E];
	_ =	swait.ge [sflag:s4], $0x0  }
0x19: {  	s7 =	sld [smem:$0x3F9F]  }
0x1a: {  	s8 =	sadd.s32 $0xFFFFE003, lr  }
0x1b: {  	s9 =	sadd.s32 $0xFFFFFEF7, lr;
	s5 =	simm.s32 $0xFFFFFFFF;
	p2 =	slt.u32 s8, $0xFFFFF086  }
0x1c: {  	p1 =	slt.u32 s9, $0xF7A;
	s5 =	simm.s32 @!p2 $0x0  }
0x1d: {  	s5 =	simm.s32 @p1 $0x1;
	p0 =	seq.s32 s7, s2  }
0x1e: {  	s7 =	smul.u32 @!p0 $0xF7A, s2;
	p2 =	seq.s32 @!p0 s5, $0x0  }
0x1f: {  	s9 =	smul.u32 $0xF7A, s1;
	s8 =	simm.s32 @!p0 $0x1BF5;
	p2 =	por !p2, p0  }
0x20: {  	[sflag:s8] =	ssyncset.s32 @!p0 $0xFFFFF086;
	s6 =	sadd.s32 @!p0 s3, s7;
	s7 =	simm.s32 @!p0 $0x108  }
0x21: {  	s3 =	sadd.s32 s3, s9;
	s6 =	sadd.s32 @!p0 $0x88, s6;
	s7 =	simm.s32 @p2 $0x1082  }
0x22: {  	[simem:s7], [sflag:s8] =	dma.local @!p0 [hbm:s6], $0xF7A  }
0x23: {  	s9 =	sor.u32 $0xD0000000, s2;
	s6 =	simm.s32 $0x108;
	_ =	swait.ge @!p0 [sflag:s8], $0x0  }
0x24: {  	s3 =	sadd.s32 $0x88, s3;
	s6 =	simm.s32 @!p1 $0x1082;
	[sflag:s4] =	ssyncset.s32 $0xFFFFF086  }
0x25: {  	[simem:s6], [sflag:s4] =	dma.local [hbm:s3], $0xF7A  }
0x26: {  	[smem:$0x3F9F] =	sst s1;
	(tag) =	ssettag s2;
	_ =	strace s9  }
0x27: {  	s1 =	sld [smem:$0x3FAF]  }
0x28: {  	s2 =	sld [smem:$0x3FB0]  }
0x29: {  	s4 =	sld [smem:$0x3FB2]  }
0x2a: {  	p0 =	seq.s32 s5, $0x0;
	s5 =	sld [smem:$0x3FB3]  }
0x2b: {  	s6 =	sld [smem:$0x3FB4]  }
0x2c: {  	s7 =	sld [smem:$0x3FB5]  }
0x2d: {  	s3 =	simm.s32 $0x108;
	s8 =	sld [smem:$0x3FB6]  }
0x2e: {  	s3 =	simm.s32 @!p0 $0x1082;
	s9 =	sld [smem:$0x3FB7]  }
0x2f: {  	lr =	sadd.s32 s0, s3;
	s0 =	sld [smem:$0x3FAE]  }
0x30: {  	s3 =	sld [smem:$0x3FB1]  }
0x31: {  	[smem:$0x3FBA] =	sst s10  }
0x32: {  	s10 =	sld [smem:$0x3FB8];
	_ =	sdelay $0x3  }
0x33: {  	p0 =	seq.s32 s10, $0x1;
	s10 =	sld [smem:$0x3FBA];
	_ =	sdelay $0x3  }
0x34: {  	[smem:$0x3FBA] =	sst s10  }
0x35: {  	s10 =	sld [smem:$0x3FB9];
	_ =	sdelay $0x3  }
0x36: {  	p1 =	seq.s32 s10, $0x1;
	s10 =	sld [smem:$0x3FBA];
	_ =	sdelay $0x3  }
0x37: {  	[smem:$0x3FBA] =	sst s10  }
0x38: {  	s10 =	sld [smem:$0x3FBB]  }
0x39: {  	_ = 	snop;
	(pc) =	sbr.ind lr, $3  }
0x3a: {  	_ = 	snop  }
0x3b: {  	_ = 	snop  }
0x3c: {  	p2 =	seq.s32 s10, $0x1;
	s10 =	sld [smem:$0x3FBA]  }
0x3d: {  	_ =	shalt  }
0x3e: {  	_ =	shalt  }
0x3f: {  	_ =	shalt  }
0x40: {  	_ =	shalt  }
0x41: {  	_ =	shalt  }
0x42: {  	_ =	shalt  }
0x43: {  	_ =	shalt  }
0x44: {  	_ =	shalt  }
0x45: {  	_ =	shalt  }
0x46: {  	_ =	shalt  }
0x47: {  	_ =	shalt  }
0x48: {  	_ =	shalt  }
0x49: {  	_ =	shalt  }
0x4a: {  	_ =	shalt  }
0x4b: {  	_ =	shalt  }
0x4c: {  	_ =	shalt  }
0x4d: {  	_ =	shalt  }
0x4e: {  	_ =	shalt  }
0x4f: {  	_ =	shalt  }
0x50: {  	_ =	shalt  }
0x51: {  	_ =	shalt  }
0x52: {  	_ =	shalt  }
0x53: {  	_ =	shalt  }
0x54: {  	_ =	shalt  }
0x55: {  	_ =	shalt  }
0x56: {  	_ =	shalt  }
0x57: {  	_ =	shalt  }
0x58: {  	_ =	shalt  }
0x59: {  	_ =	shalt  }
0x5a: {  	_ =	shalt  }
0x5b: {  	_ =	shalt  }
0x5c: {  	_ =	shalt  }
0x5d: {  	_ =	shalt  }
0x5e: {  	_ =	shalt  }
0x5f: {  	_ =	shalt  }
0x60: {  	_ =	shalt  }
0x61: {  	_ =	shalt  }
0x62: {  	_ =	shalt  }
0x63: {  	_ =	shalt  }
0x64: {  	_ =	shalt  }
0x65: {  	_ =	shalt  }
0x66: {  	_ =	shalt  }
0x67: {  	_ =	shalt  }
0x68: {  	_ =	shalt  }
0x69: {  	_ =	shalt  }
0x6a: {  	_ =	shalt  }
0x6b: {  	_ =	shalt  }
0x6c: {  	_ =	shalt  }
0x6d: {  	_ =	shalt  }
0x6e: {  	_ =	shalt  }
0x6f: {  	_ =	shalt  }
0x70: {  	_ =	shalt  }
0x71: {  	_ =	shalt  }
0x72: {  	_ =	shalt  }
0x73: {  	_ =	shalt  }
0x74: {  	_ =	shalt  }
0x75: {  	_ =	shalt  }
0x76: {  	_ =	shalt  }
0x77: {  	_ =	shalt  }
0x78: {  	_ =	shalt  }
0x79: {  	_ =	shalt  }
0x7a: {  	_ =	shalt  }
0x7b: {  	_ =	shalt  }
0x7c: {  	_ =	shalt  }
0x7d: {  	_ =	shalt  }
0x7e: {  	_ =	shalt  }
0x7f: {  	_ =	shalt  }
0x80: {  	_ =	shalt  }
0x81: {  	_ =	shalt  }
0x82: {  	_ =	shalt  }
0x83: {  	_ =	shalt  }
0x84: {  	_ =	shalt  }
0x85: {  	_ =	shalt  }
0x86: {  	_ =	shalt  }
0x87: {  	_ =	shalt  }
.Lfunc_end0:
.L_simem_size_0:
called_computation_lowered:
.L_overlay_start_0:
0x88: {  	s2 =	sld [smem:$0x3FD9]  }
0x89: {  	s3 =	sld [smem:$0x3FFE];
	_ =	sdelay $0x1  }
0x8a: {  	s1 =	srdreg.scid  }
0x8b: {  	s0 =	sand.u32 $0x1, s1  }
0x8c: {  	s14 =	sshll.u32 s0, $0xA;
	s2 =	sadd.s32 s3, s2  }
0x8d: {  	s2 =	sadd.s32 s2, s14  }
0x8e: {  	[smem:$0x3FC6] =	sst s2  }
0x8f: {  	_ = 	snop  }
0x90: {  	s2 =	sld [smem:$0x3FD0];
	_ =	sdelay $0x2  }
0x91: {  	s15 =	simm.s32 $0xA;
	s4 =	simm.s32 $0x10  }
0x92: {  	[smem:s4], [sflag:s15] =	dma.local [hbm:s2], $0x1  }
0x93: {  	_ =	swait.eq [sflag:s15], $0x1  }
0x94: {  	[sflag:s15] =	ssyncset.done $0x0  }
0x95: {  	[sflag:s15] =	ssyncadd.s32 $0xFFFFFFFF  }
0x96: {  	s16 =	sld [smem:$0x11];
	(tm) =	ssettm $0x1  }
0x97: {  	s17 =	sld [smem:$0x3FFB];
	_ =	sdelay $0x3  }
0x98: {  	_ =	strace s17  }
0x99: {  	s3 =	sld [smem:$0x3FFC];
	_ =	sdelay $0x3  }
0x9a: {  	_ =	strace s3  }
0x9b: {  	s3 =	sld [smem:$0x3FFD];
	_ =	sdelay $0x3  }
0x9c: {  	_ =	strace s3  }
0x9d: {  	_ =	strace $0x8FFFFFFF  }
0x9e: {  	s18 =	sld [smem:$0x3FDB];
	_ =	sdelay $0x1  }
0x9f: {  	s19 =	simm.s32 $_scs_section_size  }
0xa0: {  	s5 =	simm.s32 $_size__tile_overlayer_lowered;
	s6 =	simm.s32 $_tile_overlayer_lowered  }
0xa1: {  	s22 =	simm.s32 $0x1BFF;
	s21 =	sshll.u32 s6, $0x1;
	s3 =	sadd.s32 s19, s18  }
0xa2: {  	s7 =	simm.s32 $0x0;
	s20 =	sshll.u32 s5, $0x1;
	s5 =	sadd.s32 s21, s3  }
0xa3: {  	[timem:s7], [sflag:s22] =	dma.local [hbm:s5], s20  }
0xa4: {  	_ =	swait.ge [sflag:s22], s20  }
0xa5: {  	s4 =	ssub.s32 $0x0, s20;
	[sflag:s22] =	ssyncset.done $0x0  }
0xa6: {  	[sflag:s22] =	ssyncadd.s32 s4;
	_ =	sdelay $0x1  }
0xa7: {  	s23 =	simm.s32 $0x1B8B  }
0xa8: {  	_ =	swait.ge [sflag:s23], $0x1  }
0xa9: {  	[sflag:s23] =	ssyncset.done $0x0  }
0xaa: {  	s25 =	simm.s32 $0x1B8E;
	s24 =	sld [smem:$0x3FFE];
	[sflag:s23] =	ssyncadd.s32 $0xFFFFFFFF  }
0xab: {  	s26 =	simm.s32 $execute0_lowered;
	[smem:$0x3FD2] =	sst s25  }
0xac: {  	s5 =	sshll.u32 s26, $0x1;
	_ =	strace $0x80000046;
	[dreg:$0x1] =	wrdreg $0xFFFFFFFF  }
0xad: {  	s28 =	simm.s32 $_size_execute0_lowered;
	s3 =	sadd.s32 s3, s5;
	[dreg:$0x0] =	wrdreg $0x0  }
0xae: {  	s5 =	sshll.u32 s28, $0x1;
	[dreg:$0x2] =	wrdreg s3  }
0xaf: {  	[dreg:$0x3] =	wrdreg s5  }
0xb0: {  	[dreg:$0x4] =	wrdreg $0xC0  }
0xb1: {  	_ =	task [dreg:s7], $0x5FFFF  }
0xb2: {  	[dreg:$0x1] =	wrdreg $0xFFFFFFFF  }
0xb3: {  	[dreg:$0x0] =	wrdreg $0x60  }
0xb4: {  	[dreg:$0x2] =	wrdreg s24  }
0xb5: {  	[dreg:$0x3] =	wrdreg s16  }
0xb6: {  	[dreg:$0x4] =	wrdreg $0x9  }
0xb7: {  	_ =	task.clear_ibuf [dreg:s7], $0x5FFFF;
	_ =	strace $0x90000046  }
0xb8: {  	s29 =	simm.s32 $0x9;
	_ =	strace $0x80000048  }
0xb9: {  	_ =	swait.ge [sflag:s29], $0x1  }
0xba: {  	[sflag:s29] =	ssyncadd.s32 $0xFFFFFFFF  }
0xbb: {  	_ =	strace $0x90000048  }
0xbc: {  	_ =	sfence  }
0xbd: {  	s30 =	sld [smem:$0x0];
	_ =	sdelay $0x2  }
0xbe: {  	s31 =	sshll.u32 s1, $0xD;
	s1 =	sshrl.u32 s1, $0x2  }
0xbf: {  	s3 =	sand.u32 $0x4000, s31;
	s1 =	sadd.s32 s1, s30  }
0xc0: {  	s0 =	sor.u32 s3, s0;
	s1 =	sshll.u32 s1, $0x11  }
0xc1: {  	s0 =	sor.u32 s1, s0  }
0xc2: {  	s0 =	sadd.s32 $0x8F2B, s0  }
0xc3: {  	[sflag:s0] =	ssyncadd.remote.s32 $0x1  }
0xc4: {  	_ =	sfence.sel $0xFFFF  }
0xc5: {  	[dreg:$0x0] =	wrdreg $0xFFFFFFFF;
	(pc) =	sbr.abs _section_cstart, $3  }
0xc6: {  	[dreg:$0x1] =	wrdreg $0xFFFFFFFF  }
0xc7: {  	_ =	task.clear_ibuf [dreg:s7], $0x2FFFF;
	_ =	strace $0x9FFFFFFF  }
0xc8: {  	(tm) =	ssettm $0x7FFFFFFF  }
0xc9: {  	_ =	shalt  }
tec
execute0_lowered:
.L_overlay_start_1:
0x0: {  	(tag) =	ssettag $0x1  }
0x1: {  	s4 =	rddreg [dreg:$0x0]  }
0x2: {  	s6 =	rddreg [dreg:$0x1]  }
0x3: {  	s0 =	rddreg [dreg:$0x2];
	s2 =	simm.s32 $0x0;
	s1 =	stileid.u32  }
0x4: {  	s3 =	srdreg.scid;
	[smem:$0x7FF] =	sst s2  }
0x5: {  	s5 =	sshll.u32 s1, $0xF;
	s7 =	sand.u32 $0x1, s3;
	s3 =	sadd.s32 $0x188600, s4  }
0x6: {  	s9 =	sshll.u32 s1, $0xB;
	_ =	strace $0x80000047;
	s5 =	sadd.s32 s5, s4  }
0x7: {  	s29 =	ssub.s32 $0x2, s7;
	s10 =	sshll.u32 s7, $0xA;
	s7 =	sshll.u32 s7, $0xE  }
0x8: {  	s8 =	sshrl.u32 s29, $0x1;
	s30 =	sor.u32 s10, s9;
	s5 =	sadd.s32 s7, s5  }
0x9: {  	s7 =	simm.s32 $0x2;
	s9 =	simm.s32 $0x1;
	s10 =	simm.s32 $0x0  }
0xa: {  	s4 =	ssub.s32 s29, s8;
	s31 =	sshrl.u32 s30, $0x3;
	s5 =	sadd.s32 $0x108600, s5  }
0xb: {  	s8 =	simm.s32 $0x80;
	s4 =	smax.u32 s4, $0x1;
	s6 =	sadd.s32 s31, s6  }
.LBB2_1:
0xc: {  	s11 =	sadd.s32 $0x0, s6  }
0xd: {  	[tilespmem:s2], [sflag:$0x2] =	stream.linear.gather [hbm4b:s11+s2], $0x80, $0x38;
	[tilespmem:$0x4080] =	vst v63  }
0xe: {  	_ =	swait.ge [sflag:s7], $0x80  }
0xf: {  	[sflag:s7] =	ssyncset.done $0x0  }
0x10: {  	[sflag:s7] =	ssyncadd.s32 $0xFFFFFF80  }
0x11: {  	[tilespmem:s8], [sflag:$0x1] =	stream.indirect.gather [hbm4b:s3+s8], $0x80, s2, s8, $0xb8;
	[tilespmem:$0x4080] =	vst v63  }
0x12: {  	_ =	swait.ge [sflag:s9], $0x4000  }
0x13: {  	[sflag:s9] =	ssyncset.done $0x0  }
0x14: {  	[sflag:s9] =	ssyncadd.s32 $0xFFFFC000  }
0x15: {  	[hbm4b:s5+s2] =	stream.linear.scatter [tilespmem:s8], [sflag:$0x2], $0x4000, $0x38;
	[tilespmem:$0x4080] =	vst v63  }
0x16: {  	s12 =	simm.s32 $0x10;
	_ =	swait.ge [sflag:s7], $0x4000  }
0x17: {  	s13 =	simm.s32 $0x20;
	s11 =	sadd.s32 $0x800, s5;
	[sflag:s7] =	ssyncset.done $0x0  }
.LBB2_2:
0x18: {  	s14 =	sadd.s32 s12, s6  }
0x19: {  	[sflag:s7] =	ssyncadd.s32 $0xFFFFC000;
	s12 =	smov.u32 s13;
	s15 =	sadd.s32 $0x10, s13  }
0x1a: {  	[tilespmem:s2], [sflag:$0x2] =	stream.linear.gather [hbm4b:s14+s2], $0x80, $0x38;
	[tilespmem:$0x4080] =	vst v63  }
0x1b: {  	p0 =	sne.s32 s13, $0x70;
	_ =	swait.ge [sflag:s7], $0x80  }
0x1c: {  	[sflag:s7] =	ssyncset.done $0x0  }
0x1d: {  	[sflag:s7] =	ssyncadd.s32 $0xFFFFFF80  }
0x1e: {  	[tilespmem:s8], [sflag:$0x1] =	stream.indirect.gather [hbm4b:s3+s8], $0x80, s2, s8, $0xb8;
	[tilespmem:$0x4080] =	vst v63  }
0x1f: {  	_ =	swait.ge [sflag:s9], $0x4000  }
.Ltmp0:
0x20: {  	[sflag:s9] =	ssyncset.done $0x0;
	(pc) =	sbr.rel @p0 .LBB2_2-.Ltmp0, $4  }
0x21: {  	[sflag:s9] =	ssyncadd.s32 $0xFFFFC000  }
0x22: {  	[hbm4b:s11+s2] =	stream.linear.scatter [tilespmem:s8], [sflag:$0x2], $0x4000, $0x38;
	[tilespmem:$0x4080] =	vst v63  }
0x23: {  	_ =	swait.ge [sflag:s7], $0x4000  }
0x24: {  	s13 =	smov.u32 s15;
	s11 =	sadd.s32 $0x800, s11;
	[sflag:s7] =	ssyncset.done $0x0  }
0x25: {  	s12 =	sadd.s32 s12, s6;
	[sflag:s7] =	ssyncadd.s32 $0xFFFFC000  }
0x26: {  	[tilespmem:s2], [sflag:$0x2] =	stream.linear.gather [hbm4b:s12+s2], $0x80, $0x38;
	[tilespmem:$0x4080] =	vst v63  }
0x27: {  	_ =	swait.ge [sflag:s7], $0x80  }
0x28: {  	[sflag:s7] =	ssyncset.done $0x0  }
0x29: {  	[sflag:s7] =	ssyncadd.s32 $0xFFFFFF80  }
0x2a: {  	[tilespmem:s8], [sflag:$0x1] =	stream.indirect.gather [hbm4b:s3+s8], $0x80, s2, s8, $0xb8;
	[tilespmem:$0x4080] =	vst v63  }
0x2b: {  	s10 =	sadd.s32 $0x1, s10;
	_ =	swait.ge [sflag:s9], $0x4000  }
0x2c: {  	p0 =	sne.s32 s10, s4;
	[sflag:s9] =	ssyncset.done $0x0  }
.Ltmp1:
0x2d: {  	[sflag:s9] =	ssyncadd.s32 $0xFFFFC000;
	(pc) =	sbr.rel @p0 .LBB2_1-.Ltmp1, $4  }
0x2e: {  	[hbm4b:s11+s2] =	stream.linear.scatter [tilespmem:s8], [sflag:$0x2], $0x4000, $0x38;
	[tilespmem:$0x4080] =	vst v63  }
0x2f: {  	_ =	swait.ge [sflag:s7], $0x4000  }
0x30: {  	[sflag:s7] =	ssyncset.done $0x0  }
0x31: {  	[sflag:s7] =	ssyncadd.s32 $0xFFFFC000  }
0x32: {  	_ =	sfence.sel $0x180000  }
0x33: {  	[bflag:$0x0] =	sbarrier.arrive $0xFFFF  }
0x34: {  	p0 =	sne.s32 s1, $0x0;
	_ =	strace $0x90000047  }
0x35: {  	s0 =	sadd.s32 @!p0 $0x100000, s0;
	[bflag:$0x2] =	sbarrier.arrive $0xFFFF  }
0x36: {  	[sflag:s0] =	ssyncadd.tile.s32 @!p0 $0x1;
	_ =	shalt  }
.Lfunc_end2:
_tile_overlayer_lowered:
.L_overlay_start_2:
0x37: {  	(tag) =	ssettag $0x2  }
0x38: {  	s0 =	rddreg [dreg:$0x0];
	s2 =	stileid.u32  }
0x39: {  	s1 =	rddreg [dreg:$0x1];
	p0 =	sne.s32 s2, $0x0  }
0x3a: {  	s3 =	rddreg [dreg:$0x2];
	[bflag:$0x3] =	sbarrier.arrive $0xFFFF;
	s2 =	simm.s32 @!p0 $0x1C02  }
0x3b: {  	[timem:s3], [sflag:s2] =	dma.local @!p0 [hbm:s0], s1  }
0x3c: {  	s0 =	simm.s32 @!p0 $0x2  }
0x3d: {  	_ =	swait.ge @!p0 [sflag:s0], s1  }
0x3e: {  	s1 =	ssub.s32 @!p0 $0x0, s1;
	[sflag:s0] =	ssyncset.done @!p0 $0x0  }
0x3f: {  	[sflag:s0] =	ssyncadd.s32 @!p0 s1  }
0x40: {  	[bflag:$0x3] =	sbarrier.arrive $0xFFFF  }
0x41: {  	_ =	shalt  }

// kernel: kernel.17.cloned.1.call-start
scs
__scs_entry_jumppad:
0x0: {  	(pc) =	sbr.rel $0x88, $3  }
0x1: {  	(tag) =	ssettag $0x0;
	lr =	simm.s32 $0x1  }
0x2: {  	[smem:$0x3F9F] =	sst lr;
	_ =	strace $0xD0000000  }
0x3: {  	_ = 	snop  }
0x4: {  	_ = 	snop  }
0x5: {  	_ = 	snop  }
0x6: {  	_ = 	snop  }
0x7: {  	_ = 	snop  }
__scs_overlays_trampoline_lowered:
0x8: {  	[smem:$0x3FAE] =	sst s0  }
0x9: {  	[smem:$0x3FAF] =	sst s1  }
0xa: {  	[smem:$0x3FB0] =	sst s2  }
0xb: {  	[smem:$0x3FB1] =	sst s3  }
0xc: {  	[smem:$0x3FB2] =	sst s4  }
0xd: {  	[smem:$0x3FB3] =	sst s5  }
0xe: {  	[smem:$0x3FB4] =	sst s6  }
0xf: {  	[smem:$0x3FB5] =	sst s7  }
0x10: {  	[smem:$0x3FB6] =	sst s8  }
0x11: {  	[smem:$0x3FB7] =	sst s9;
	s0 =	simm.s32 @!p0 $0x0  }
0x12: {  	s1 =	sld [smem:$0x3F9D];
	s0 =	simm.s32 @p0 $0x1  }
0x13: {  	[smem:$0x3FB8] =	sst s0;
	s0 =	simm.s32 @!p1 $0x0  }
0x14: {  	s2 =	sld [smem:$0x3F9C];
	s0 =	simm.s32 @p1 $0x1  }
0x15: {  	[smem:$0x3FB9] =	sst s0;
	s0 =	simm.s32 @!p2 $0x0  }
0x16: {  	s3 =	sld [smem:$0x3FDB];
	s0 =	simm.s32 @p2 $0x1  }
0x17: {  	s4 =	simm.s32 $0x1BF5;
	[smem:$0x3FBB] =	sst s0  }
0x18: {  	s0 =	sld [smem:$0x3F9E];
	_ =	swait.ge [sflag:s4], $0x0  }
0x19: {  	s7 =	sld [smem:$0x3F9F]  }
0x1a: {  	s8 =	sadd.s32 $0xFFFFE003, lr  }
0x1b: {  	s9 =	sadd.s32 $0xFFFFFEF7, lr;
	s5 =	simm.s32 $0xFFFFFFFF;
	p2 =	slt.u32 s8, $0xFFFFF086  }
0x1c: {  	p1 =	slt.u32 s9, $0xF7A;
	s5 =	simm.s32 @!p2 $0x0  }
0x1d: {  	s5 =	simm.s32 @p1 $0x1;
	p0 =	seq.s32 s7, s2  }
0x1e: {  	s7 =	smul.u32 @!p0 $0xF7A, s2;
	p2 =	seq.s32 @!p0 s5, $0x0  }
0x1f: {  	s9 =	smul.u32 $0xF7A, s1;
	s8 =	simm.s32 @!p0 $0x1BF5;
	p2 =	por !p2, p0  }
0x20: {  	[sflag:s8] =	ssyncset.s32 @!p0 $0xFFFFF086;
	s6 =	sadd.s32 @!p0 s3, s7;
	s7 =	simm.s32 @!p0 $0x108  }
0x21: {  	s3 =	sadd.s32 s3, s9;
	s6 =	sadd.s32 @!p0 $0x88, s6;
	s7 =	simm.s32 @p2 $0x1082  }
0x22: {  	[simem:s7], [sflag:s8] =	dma.local @!p0 [hbm:s6], $0xF7A  }
0x23: {  	s9 =	sor.u32 $0xD0000000, s2;
	s6 =	simm.s32 $0x108;
	_ =	swait.ge @!p0 [sflag:s8], $0x0  }
0x24: {  	s3 =	sadd.s32 $0x88, s3;
	s6 =	simm.s32 @!p1 $0x1082;
	[sflag:s4] =	ssyncset.s32 $0xFFFFF086  }
0x25: {  	[simem:s6], [sflag:s4] =	dma.local [hbm:s3], $0xF7A  }
0x26: {  	[smem:$0x3F9F] =	sst s1;
	(tag) =	ssettag s2;
	_ =	strace s9  }
0x27: {  	s1 =	sld [smem:$0x3FAF]  }
0x28: {  	s2 =	sld [smem:$0x3FB0]  }
0x29: {  	s4 =	sld [smem:$0x3FB2]  }
0x2a: {  	p0 =	seq.s32 s5, $0x0;
	s5 =	sld [smem:$0x3FB3]  }
0x2b: {  	s6 =	sld [smem:$0x3FB4]  }
0x2c: {  	s7 =	sld [smem:$0x3FB5]  }
0x2d: {  	s3 =	simm.s32 $0x108;
	s8 =	sld [smem:$0x3FB6]  }
0x2e: {  	s3 =	simm.s32 @!p0 $0x1082;
	s9 =	sld [smem:$0x3FB7]  }
0x2f: {  	lr =	sadd.s32 s0, s3;
	s0 =	sld [smem:$0x3FAE]  }
0x30: {  	s3 =	sld [smem:$0x3FB1]  }
0x31: {  	[smem:$0x3FBA] =	sst s10  }
0x32: {  	s10 =	sld [smem:$0x3FB8];
	_ =	sdelay $0x3  }
0x33: {  	p0 =	seq.s32 s10, $0x1;
	s10 =	sld [smem:$0x3FBA];
	_ =	sdelay $0x3  }
0x34: {  	[smem:$0x3FBA] =	sst s10  }
0x35: {  	s10 =	sld [smem:$0x3FB9];
	_ =	sdelay $0x3  }
0x36: {  	p1 =	seq.s32 s10, $0x1;
	s10 =	sld [smem:$0x3FBA];
	_ =	sdelay $0x3  }
0x37: {  	[smem:$0x3FBA] =	sst s10  }
0x38: {  	s10 =	sld [smem:$0x3FBB]  }
0x39: {  	_ = 	snop;
	(pc) =	sbr.ind lr, $3  }
0x3a: {  	_ = 	snop  }
0x3b: {  	_ = 	snop  }
0x3c: {  	p2 =	seq.s32 s10, $0x1;
	s10 =	sld [smem:$0x3FBA]  }
0x3d: {  	_ =	shalt  }
0x3e: {  	_ =	shalt  }
0x3f: {  	_ =	shalt  }
0x40: {  	_ =	shalt  }
0x41: {  	_ =	shalt  }
0x42: {  	_ =	shalt  }
0x43: {  	_ =	shalt  }
0x44: {  	_ =	shalt  }
0x45: {  	_ =	shalt  }
0x46: {  	_ =	shalt  }
0x47: {  	_ =	shalt  }
0x48: {  	_ =	shalt  }
0x49: {  	_ =	shalt  }
0x4a: {  	_ =	shalt  }
0x4b: {  	_ =	shalt  }
0x4c: {  	_ =	shalt  }
0x4d: {  	_ =	shalt  }
0x4e: {  	_ =	shalt  }
0x4f: {  	_ =	shalt  }
0x50: {  	_ =	shalt  }
0x51: {  	_ =	shalt  }
0x52: {  	_ =	shalt  }
0x53: {  	_ =	shalt  }
0x54: {  	_ =	shalt  }
0x55: {  	_ =	shalt  }
0x56: {  	_ =	shalt  }
0x57: {  	_ =	shalt  }
0x58: {  	_ =	shalt  }
0x59: {  	_ =	shalt  }
0x5a: {  	_ =	shalt  }
0x5b: {  	_ =	shalt  }
0x5c: {  	_ =	shalt  }
0x5d: {  	_ =	shalt  }
0x5e: {  	_ =	shalt  }
0x5f: {  	_ =	shalt  }
0x60: {  	_ =	shalt  }
0x61: {  	_ =	shalt  }
0x62: {  	_ =	shalt  }
0x63: {  	_ =	shalt  }
0x64: {  	_ =	shalt  }
0x65: {  	_ =	shalt  }
0x66: {  	_ =	shalt  }
0x67: {  	_ =	shalt  }
0x68: {  	_ =	shalt  }
0x69: {  	_ =	shalt  }
0x6a: {  	_ =	shalt  }
0x6b: {  	_ =	shalt  }
0x6c: {  	_ =	shalt  }
0x6d: {  	_ =	shalt  }
0x6e: {  	_ =	shalt  }
0x6f: {  	_ =	shalt  }
0x70: {  	_ =	shalt  }
0x71: {  	_ =	shalt  }
0x72: {  	_ =	shalt  }
0x73: {  	_ =	shalt  }
0x74: {  	_ =	shalt  }
0x75: {  	_ =	shalt  }
0x76: {  	_ =	shalt  }
0x77: {  	_ =	shalt  }
0x78: {  	_ =	shalt  }
0x79: {  	_ =	shalt  }
0x7a: {  	_ =	shalt  }
0x7b: {  	_ =	shalt  }
0x7c: {  	_ =	shalt  }
0x7d: {  	_ =	shalt  }
0x7e: {  	_ =	shalt  }
0x7f: {  	_ =	shalt  }
0x80: {  	_ =	shalt  }
0x81: {  	_ =	shalt  }
0x82: {  	_ =	shalt  }
0x83: {  	_ =	shalt  }
0x84: {  	_ =	shalt  }
0x85: {  	_ =	shalt  }
0x86: {  	_ =	shalt  }
0x87: {  	_ =	shalt  }
.Lfunc_end0:
.L_simem_size_0:
called_computation.1_lowered:
.L_overlay_start_0:
0x88: {  	s2 =	sld [smem:$0x3FD9]  }
0x89: {  	s3 =	sld [smem:$0x3FFE];
	_ =	sdelay $0x1  }
0x8a: {  	s1 =	srdreg.scid  }
0x8b: {  	s0 =	sand.u32 $0x1, s1  }
0x8c: {  	s16 =	sshll.u32 s0, $0xA;
	s2 =	sadd.s32 s3, s2  }
0x8d: {  	s2 =	sadd.s32 s2, s16  }
0x8e: {  	[smem:$0x3FC6] =	sst s2  }
0x8f: {  	_ = 	snop  }
0x90: {  	(tm) =	ssettm $0x1  }
0x91: {  	s17 =	sld [smem:$0x3FFB];
	_ =	sdelay $0x3  }
0x92: {  	_ =	strace s17  }
0x93: {  	s2 =	sld [smem:$0x3FFC];
	_ =	sdelay $0x3  }
0x94: {  	_ =	strace s2  }
0x95: {  	s2 =	sld [smem:$0x3FFD];
	_ =	sdelay $0x3  }
0x96: {  	_ =	strace s2  }
0x97: {  	_ =	strace $0x8FFFFFFF  }
0x98: {  	s18 =	sld [smem:$0x3FDB];
	_ =	sdelay $0x1  }
0x99: {  	s19 =	simm.s32 $_scs_section_size  }
0x9a: {  	s4 =	simm.s32 $_size__tile_overlayer_lowered;
	s5 =	simm.s32 $_tile_overlayer_lowered  }
0x9b: {  	s22 =	simm.s32 $0x1BFF;
	s21 =	sshll.u32 s5, $0x1;
	s2 =	sadd.s32 s19, s18  }
0x9c: {  	s6 =	simm.s32 $0x0;
	s20 =	sshll.u32 s4, $0x1;
	s4 =	sadd.s32 s21, s2  }
0x9d: {  	[timem:s6], [sflag:s22] =	dma.local [hbm:s4], s20  }
0x9e: {  	_ =	swait.ge [sflag:s22], s20  }
0x9f: {  	s3 =	ssub.s32 $0x0, s20;
	[sflag:s22] =	ssyncset.done $0x0  }
0xa0: {  	[sflag:s22] =	ssyncadd.s32 s3;
	_ =	sdelay $0x1  }
0xa1: {  	s23 =	simm.s32 $0x1B8B  }
0xa2: {  	_ =	swait.ge [sflag:s23], $0x1  }
0xa3: {  	[sflag:s23] =	ssyncset.done $0x0  }
0xa4: {  	s25 =	simm.s32 $0x1B8E;
	s24 =	sld [smem:$0x3FFE];
	[sflag:s23] =	ssyncadd.s32 $0xFFFFFFFF  }
0xa5: {  	s26 =	simm.s32 $execute0_lowered;
	[smem:$0x3FD2] =	sst s25  }
0xa6: {  	s4 =	sshll.u32 s26, $0x1;
	_ =	strace $0x80000049;
	[dreg:$0x1] =	wrdreg $0xFFFFFFFF  }
0xa7: {  	s28 =	simm.s32 $_size_execute0_lowered;
	s2 =	sadd.s32 s2, s4;
	[dreg:$0x0] =	wrdreg $0x0  }
0xa8: {  	s4 =	sshll.u32 s28, $0x1;
	[dreg:$0x2] =	wrdreg s2  }
0xa9: {  	[dreg:$0x3] =	wrdreg s4  }
0xaa: {  	[dreg:$0x4] =	wrdreg $0xC0  }
0xab: {  	_ =	task [dreg:s6], $0x5FFFF  }
0xac: {  	[dreg:$0x1] =	wrdreg $0xFFFFFFFF  }
0xad: {  	[dreg:$0x0] =	wrdreg $0x60  }
0xae: {  	[dreg:$0x2] =	wrdreg s24  }
0xaf: {  	[dreg:$0x3] =	wrdreg $0x9  }
0xb0: {  	_ =	task.clear_ibuf [dreg:s6], $0x4FFFF;
	_ =	strace $0x90000049  }
0xb1: {  	s29 =	simm.s32 $0x9;
	_ =	strace $0x8000004B  }
0xb2: {  	_ =	swait.ge [sflag:s29], $0x1  }
0xb3: {  	[sflag:s29] =	ssyncadd.s32 $0xFFFFFFFF  }
0xb4: {  	_ =	strace $0x9000004B  }
0xb5: {  	_ =	sfence  }
0xb6: {  	s30 =	sld [smem:$0x0];
	_ =	sdelay $0x2  }
0xb7: {  	s31 =	sshll.u32 s1, $0xD;
	s1 =	sshrl.u32 s1, $0x2  }
0xb8: {  	s3 =	sand.u32 $0x4000, s31;
	s1 =	sadd.s32 s1, s30  }
0xb9: {  	s0 =	sor.u32 s3, s0;
	s1 =	sshll.u32 s1, $0x11  }
0xba: {  	s0 =	sor.u32 s1, s0  }
0xbb: {  	s0 =	sadd.s32 $0x8F2B, s0  }
0xbc: {  	[sflag:s0] =	ssyncadd.remote.s32 $0x1  }
0xbd: {  	_ =	sfence.sel $0xFFFF  }
0xbe: {  	[dreg:$0x0] =	wrdreg $0xFFFFFFFF;
	(pc) =	sbr.abs _section_cstart, $3  }
0xbf: {  	[dreg:$0x1] =	wrdreg $0xFFFFFFFF  }
0xc0: {  	_ =	task.clear_ibuf [dreg:s6], $0x2FFFF;
	_ =	strace $0x9FFFFFFF  }
0xc1: {  	(tm) =	ssettm $0x7FFFFFFF  }
tec
execute0_lowered:
.L_overlay_start_1:
0x0: {  	(tag) =	ssettag $0x1  }
0x1: {  	s4 =	rddreg [dreg:$0x0]  }
0x2: {  	s0 =	rddreg [dreg:$0x1];
	s2 =	simm.s32 $0x0;
	s3 =	srdreg.scid  }
0x3: {  	s1 =	stileid.u32;
	s10 =	simm.s32 $0x0;
	[smem:$0x7FF] =	sst s2  }
0x4: {  	s5 =	sand.u32 $0x1, s3;
	s6 =	sshll.u32 s1, $0xB;
	s3 =	sadd.s32 $0x1A8600, s4  }
0x5: {  	s8 =	sshll.u32 s1, $0xF;
	_ =	strace $0x8000004A;
	s7 =	sshll.u32 s5, $0xA  }
0x6: {  	s31 =	ssub.s32 $0x2, s5;
	s8 =	sadd.s32 s8, s4;
	s5 =	sshll.u32 s5, $0xE  }
0x7: {  	s6 =	sor.u32 s7, s6;
	s9 =	sshrl.u32 s31, $0x1;
	s5 =	sadd.s32 s5, s8  }
0x8: {  	s8 =	simm.s32 $0x80;
	s6 =	sshrl.u32 s6, $0x3;
	s7 =	ssub.s32 s31, s9  }
0x9: {  	s5 =	sadd.s32 $0x1E8600, s5;
	s9 =	simm.s32 $0x1;
	s6 =	sadd.s32 s6, s4  }
0xa: {  	s4 =	smax.u32 s7, $0x1;
	s7 =	simm.s32 $0x2;
	s6 =	sadd.s32 $0x188600, s6  }
.LBB2_1:
0xb: {  	s11 =	sadd.s32 $0x0, s6  }
0xc: {  	[tilespmem:s2], [sflag:$0x2] =	stream.linear.gather [hbm4b:s11+s2], $0x80, $0x38;
	[tilespmem:$0x4080] =	vst v63  }
0xd: {  	_ =	swait.ge [sflag:s7], $0x80  }
0xe: {  	[sflag:s7] =	ssyncset.done $0x0  }
0xf: {  	[sflag:s7] =	ssyncadd.s32 $0xFFFFFF80  }
0x10: {  	[tilespmem:s8], [sflag:$0x1] =	stream.indirect.gather [hbm4b:s3+s8], $0x80, s2, s8, $0xb8;
	[tilespmem:$0x4080] =	vst v63  }
0x11: {  	_ =	swait.ge [sflag:s9], $0x4000  }
0x12: {  	[sflag:s9] =	ssyncset.done $0x0  }
0x13: {  	[sflag:s9] =	ssyncadd.s32 $0xFFFFC000  }
0x14: {  	[hbm4b:s5+s2] =	stream.linear.scatter [tilespmem:s8], [sflag:$0x2], $0x4000, $0x38;
	[tilespmem:$0x4080] =	vst v63  }
0x15: {  	s12 =	simm.s32 $0x10;
	_ =	swait.ge [sflag:s7], $0x4000  }
0x16: {  	s13 =	simm.s32 $0x20;
	s11 =	sadd.s32 $0x800, s5;
	[sflag:s7] =	ssyncset.done $0x0  }
.LBB2_2:
0x17: {  	s14 =	sadd.s32 s12, s6  }
0x18: {  	[sflag:s7] =	ssyncadd.s32 $0xFFFFC000;
	s12 =	smov.u32 s13;
	s15 =	sadd.s32 $0x10, s13  }
0x19: {  	[tilespmem:s2], [sflag:$0x2] =	stream.linear.gather [hbm4b:s14+s2], $0x80, $0x38;
	[tilespmem:$0x4080] =	vst v63  }
0x1a: {  	p0 =	sne.s32 s13, $0x70;
	_ =	swait.ge [sflag:s7], $0x80  }
0x1b: {  	[sflag:s7] =	ssyncset.done $0x0  }
0x1c: {  	[sflag:s7] =	ssyncadd.s32 $0xFFFFFF80  }
0x1d: {  	[tilespmem:s8], [sflag:$0x1] =	stream.indirect.gather [hbm4b:s3+s8], $0x80, s2, s8, $0xb8;
	[tilespmem:$0x4080] =	vst v63  }
0x1e: {  	_ =	swait.ge [sflag:s9], $0x4000  }
.Ltmp0:
0x1f: {  	[sflag:s9] =	ssyncset.done $0x0;
	(pc) =	sbr.rel @p0 .LBB2_2-.Ltmp0, $4  }
0x20: {  	[sflag:s9] =	ssyncadd.s32 $0xFFFFC000  }
0x21: {  	[hbm4b:s11+s2] =	stream.linear.scatter [tilespmem:s8], [sflag:$0x2], $0x4000, $0x38;
	[tilespmem:$0x4080] =	vst v63  }
0x22: {  	_ =	swait.ge [sflag:s7], $0x4000  }
0x23: {  	s13 =	smov.u32 s15;
	s11 =	sadd.s32 $0x800, s11;
	[sflag:s7] =	ssyncset.done $0x0  }
0x24: {  	s12 =	sadd.s32 s12, s6;
	[sflag:s7] =	ssyncadd.s32 $0xFFFFC000  }
0x25: {  	[tilespmem:s2], [sflag:$0x2] =	stream.linear.gather [hbm4b:s12+s2], $0x80, $0x38;
	[tilespmem:$0x4080] =	vst v63  }
0x26: {  	_ =	swait.ge [sflag:s7], $0x80  }
0x27: {  	[sflag:s7] =	ssyncset.done $0x0  }
0x28: {  	[sflag:s7] =	ssyncadd.s32 $0xFFFFFF80  }
0x29: {  	[tilespmem:s8], [sflag:$0x1] =	stream.indirect.gather [hbm4b:s3+s8], $0x80, s2, s8, $0xb8;
	[tilespmem:$0x4080] =	vst v63  }
0x2a: {  	s10 =	sadd.s32 $0x1, s10;
	_ =	swait.ge [sflag:s9], $0x4000  }
0x2b: {  	p0 =	sne.s32 s10, s4;
	[sflag:s9] =	ssyncset.done $0x0  }
.Ltmp1:
0x2c: {  	[sflag:s9] =	ssyncadd.s32 $0xFFFFC000;
	(pc) =	sbr.rel @p0 .LBB2_1-.Ltmp1, $4  }
0x2d: {  	[hbm4b:s11+s2] =	stream.linear.scatter [tilespmem:s8], [sflag:$0x2], $0x4000, $0x38;
	[tilespmem:$0x4080] =	vst v63  }
0x2e: {  	_ =	swait.ge [sflag:s7], $0x4000  }
0x2f: {  	[sflag:s7] =	ssyncset.done $0x0  }
0x30: {  	[sflag:s7] =	ssyncadd.s32 $0xFFFFC000  }
0x31: {  	_ =	sfence.sel $0x180000  }
0x32: {  	[bflag:$0x0] =	sbarrier.arrive $0xFFFF  }
0x33: {  	p0 =	sne.s32 s1, $0x0;
	_ =	strace $0x9000004A  }
0x34: {  	s0 =	sadd.s32 @!p0 $0x100000, s0;
	[bflag:$0x2] =	sbarrier.arrive $0xFFFF  }
0x35: {  	[sflag:s0] =	ssyncadd.tile.s32 @!p0 $0x1;
	_ =	shalt  }
.Lfunc_end2:
_tile_overlayer_lowered:
.L_overlay_start_2:
0x36: {  	(tag) =	ssettag $0x2  }
0x37: {  	s0 =	rddreg [dreg:$0x0];
	s2 =	stileid.u32  }
0x38: {  	s1 =	rddreg [dreg:$0x1];
	p0 =	sne.s32 s2, $0x0  }
0x39: {  	s3 =	rddreg [dreg:$0x2];
	[bflag:$0x3] =	sbarrier.arrive $0xFFFF;
	s2 =	simm.s32 @!p0 $0x1C02  }
0x3a: {  	[timem:s3], [sflag:s2] =	dma.local @!p0 [hbm:s0], s1  }
0x3b: {  	s0 =	simm.s32 @!p0 $0x2  }
0x3c: {  	_ =	swait.ge @!p0 [sflag:s0], s1  }
0x3d: {  	s1 =	ssub.s32 @!p0 $0x0, s1;
	[sflag:s0] =	ssyncset.done @!p0 $0x0  }
0x3e: {  	[sflag:s0] =	ssyncadd.s32 @!p0 s1  }
0x3f: {  	[bflag:$0x3] =	sbarrier.arrive $0xFFFF  }
0x40: {  	_ =	shalt  }

// kernel: kernel.20.cloned.1.call-start
scs
__scs_entry_jumppad:
0x0: {  	(pc) =	sbr.rel $0x88, $3  }
0x1: {  	(tag) =	ssettag $0x0;
	lr =	simm.s32 $0x1  }
0x2: {  	[smem:$0x3F9F] =	sst lr;
	_ =	strace $0xD0000000  }
0x3: {  	_ = 	snop  }
0x4: {  	_ = 	snop  }
0x5: {  	_ = 	snop  }
0x6: {  	_ = 	snop  }
0x7: {  	_ = 	snop  }
__scs_overlays_trampoline_lowered:
0x8: {  	[smem:$0x3FAE] =	sst s0  }
0x9: {  	[smem:$0x3FAF] =	sst s1  }
0xa: {  	[smem:$0x3FB0] =	sst s2  }
0xb: {  	[smem:$0x3FB1] =	sst s3  }
0xc: {  	[smem:$0x3FB2] =	sst s4  }
0xd: {  	[smem:$0x3FB3] =	sst s5  }
0xe: {  	[smem:$0x3FB4] =	sst s6  }
0xf: {  	[smem:$0x3FB5] =	sst s7  }
0x10: {  	[smem:$0x3FB6] =	sst s8  }
0x11: {  	[smem:$0x3FB7] =	sst s9;
	s0 =	simm.s32 @!p0 $0x0  }
0x12: {  	s1 =	sld [smem:$0x3F9D];
	s0 =	simm.s32 @p0 $0x1  }
0x13: {  	[smem:$0x3FB8] =	sst s0;
	s0 =	simm.s32 @!p1 $0x0  }
0x14: {  	s2 =	sld [smem:$0x3F9C];
	s0 =	simm.s32 @p1 $0x1  }
0x15: {  	[smem:$0x3FB9] =	sst s0;
	s0 =	simm.s32 @!p2 $0x0  }
0x16: {  	s3 =	sld [smem:$0x3FDB];
	s0 =	simm.s32 @p2 $0x1  }
0x17: {  	s4 =	simm.s32 $0x1BF5;
	[smem:$0x3FBB] =	sst s0  }
0x18: {  	s0 =	sld [smem:$0x3F9E];
	_ =	swait.ge [sflag:s4], $0x0  }
0x19: {  	s7 =	sld [smem:$0x3F9F]  }
0x1a: {  	s8 =	sadd.s32 $0xFFFFE003, lr  }
0x1b: {  	s9 =	sadd.s32 $0xFFFFFEF7, lr;
	s5 =	simm.s32 $0xFFFFFFFF;
	p2 =	slt.u32 s8, $0xFFFFF086  }
0x1c: {  	p1 =	slt.u32 s9, $0xF7A;
	s5 =	simm.s32 @!p2 $0x0  }
0x1d: {  	s5 =	simm.s32 @p1 $0x1;
	p0 =	seq.s32 s7, s2  }
0x1e: {  	s7 =	smul.u32 @!p0 $0xF7A, s2;
	p2 =	seq.s32 @!p0 s5, $0x0  }
0x1f: {  	s9 =	smul.u32 $0xF7A, s1;
	s8 =	simm.s32 @!p0 $0x1BF5;
	p2 =	por !p2, p0  }
0x20: {  	[sflag:s8] =	ssyncset.s32 @!p0 $0xFFFFF086;
	s6 =	sadd.s32 @!p0 s3, s7;
	s7 =	simm.s32 @!p0 $0x108  }
0x21: {  	s3 =	sadd.s32 s3, s9;
	s6 =	sadd.s32 @!p0 $0x88, s6;
	s7 =	simm.s32 @p2 $0x1082  }
0x22: {  	[simem:s7], [sflag:s8] =	dma.local @!p0 [hbm:s6], $0xF7A  }
0x23: {  	s9 =	sor.u32 $0xD0000000, s2;
	s6 =	simm.s32 $0x108;
	_ =	swait.ge @!p0 [sflag:s8], $0x0  }
0x24: {  	s3 =	sadd.s32 $0x88, s3;
	s6 =	simm.s32 @!p1 $0x1082;
	[sflag:s4] =	ssyncset.s32 $0xFFFFF086  }
0x25: {  	[simem:s6], [sflag:s4] =	dma.local [hbm:s3], $0xF7A  }
0x26: {  	[smem:$0x3F9F] =	sst s1;
	(tag) =	ssettag s2;
	_ =	strace s9  }
0x27: {  	s1 =	sld [smem:$0x3FAF]  }
0x28: {  	s2 =	sld [smem:$0x3FB0]  }
0x29: {  	s4 =	sld [smem:$0x3FB2]  }
0x2a: {  	p0 =	seq.s32 s5, $0x0;
	s5 =	sld [smem:$0x3FB3]  }
0x2b: {  	s6 =	sld [smem:$0x3FB4]  }
0x2c: {  	s7 =	sld [smem:$0x3FB5]  }
0x2d: {  	s3 =	simm.s32 $0x108;
	s8 =	sld [smem:$0x3FB6]  }
0x2e: {  	s3 =	simm.s32 @!p0 $0x1082;
	s9 =	sld [smem:$0x3FB7]  }
0x2f: {  	lr =	sadd.s32 s0, s3;
	s0 =	sld [smem:$0x3FAE]  }
0x30: {  	s3 =	sld [smem:$0x3FB1]  }
0x31: {  	[smem:$0x3FBA] =	sst s10  }
0x32: {  	s10 =	sld [smem:$0x3FB8];
	_ =	sdelay $0x3  }
0x33: {  	p0 =	seq.s32 s10, $0x1;
	s10 =	sld [smem:$0x3FBA];
	_ =	sdelay $0x3  }
0x34: {  	[smem:$0x3FBA] =	sst s10  }
0x35: {  	s10 =	sld [smem:$0x3FB9];
	_ =	sdelay $0x3  }
0x36: {  	p1 =	seq.s32 s10, $0x1;
	s10 =	sld [smem:$0x3FBA];
	_ =	sdelay $0x3  }
0x37: {  	[smem:$0x3FBA] =	sst s10  }
0x38: {  	s10 =	sld [smem:$0x3FBB]  }
0x39: {  	_ = 	snop;
	(pc) =	sbr.ind lr, $3  }
0x3a: {  	_ = 	snop  }
0x3b: {  	_ = 	snop  }
0x3c: {  	p2 =	seq.s32 s10, $0x1;
	s10 =	sld [smem:$0x3FBA]  }
0x3d: {  	_ =	shalt  }
0x3e: {  	_ =	shalt  }
0x3f: {  	_ =	shalt  }
0x40: {  	_ =	shalt  }
0x41: {  	_ =	shalt  }
0x42: {  	_ =	shalt  }
0x43: {  	_ =	shalt  }
0x44: {  	_ =	shalt  }
0x45: {  	_ =	shalt  }
0x46: {  	_ =	shalt  }
0x47: {  	_ =	shalt  }
0x48: {  	_ =	shalt  }
0x49: {  	_ =	shalt  }
0x4a: {  	_ =	shalt  }
0x4b: {  	_ =	shalt  }
0x4c: {  	_ =	shalt  }
0x4d: {  	_ =	shalt  }
0x4e: {  	_ =	shalt  }
0x4f: {  	_ =	shalt  }
0x50: {  	_ =	shalt  }
0x51: {  	_ =	shalt  }
0x52: {  	_ =	shalt  }
0x53: {  	_ =	shalt  }
0x54: {  	_ =	shalt  }
0x55: {  	_ =	shalt  }
0x56: {  	_ =	shalt  }
0x57: {  	_ =	shalt  }
0x58: {  	_ =	shalt  }
0x59: {  	_ =	shalt  }
0x5a: {  	_ =	shalt  }
0x5b: {  	_ =	shalt  }
0x5c: {  	_ =	shalt  }
0x5d: {  	_ =	shalt  }
0x5e: {  	_ =	shalt  }
0x5f: {  	_ =	shalt  }
0x60: {  	_ =	shalt  }
0x61: {  	_ =	shalt  }
0x62: {  	_ =	shalt  }
0x63: {  	_ =	shalt  }
0x64: {  	_ =	shalt  }
0x65: {  	_ =	shalt  }
0x66: {  	_ =	shalt  }
0x67: {  	_ =	shalt  }
0x68: {  	_ =	shalt  }
0x69: {  	_ =	shalt  }
0x6a: {  	_ =	shalt  }
0x6b: {  	_ =	shalt  }
0x6c: {  	_ =	shalt  }
0x6d: {  	_ =	shalt  }
0x6e: {  	_ =	shalt  }
0x6f: {  	_ =	shalt  }
0x70: {  	_ =	shalt  }
0x71: {  	_ =	shalt  }
0x72: {  	_ =	shalt  }
0x73: {  	_ =	shalt  }
0x74: {  	_ =	shalt  }
0x75: {  	_ =	shalt  }
0x76: {  	_ =	shalt  }
0x77: {  	_ =	shalt  }
0x78: {  	_ =	shalt  }
0x79: {  	_ =	shalt  }
0x7a: {  	_ =	shalt  }
0x7b: {  	_ =	shalt  }
0x7c: {  	_ =	shalt  }
0x7d: {  	_ =	shalt  }
0x7e: {  	_ =	shalt  }
0x7f: {  	_ =	shalt  }
0x80: {  	_ =	shalt  }
0x81: {  	_ =	shalt  }
0x82: {  	_ =	shalt  }
0x83: {  	_ =	shalt  }
0x84: {  	_ =	shalt  }
0x85: {  	_ =	shalt  }
0x86: {  	_ =	shalt  }
0x87: {  	_ =	shalt  }
.Lfunc_end0:
.L_simem_size_0:
called_computation.2_lowered:
.L_overlay_start_0:
0x88: {  	s2 =	sld [smem:$0x3FD9]  }
0x89: {  	s3 =	sld [smem:$0x3FFE];
	_ =	sdelay $0x1  }
0x8a: {  	s1 =	srdreg.scid  }
0x8b: {  	s0 =	sand.u32 $0x1, s1  }
0x8c: {  	s16 =	sshll.u32 s0, $0xA;
	s2 =	sadd.s32 s3, s2  }
0x8d: {  	s2 =	sadd.s32 s2, s16  }
0x8e: {  	[smem:$0x3FC6] =	sst s2  }
0x8f: {  	_ = 	snop  }
0x90: {  	(tm) =	ssettm $0x1  }
0x91: {  	s17 =	sld [smem:$0x3FFB];
	_ =	sdelay $0x3  }
0x92: {  	_ =	strace s17  }
0x93: {  	s2 =	sld [smem:$0x3FFC];
	_ =	sdelay $0x3  }
0x94: {  	_ =	strace s2  }
0x95: {  	s2 =	sld [smem:$0x3FFD];
	_ =	sdelay $0x3  }
0x96: {  	_ =	strace s2  }
0x97: {  	_ =	strace $0x8FFFFFFF  }
0x98: {  	s18 =	sld [smem:$0x3FDB];
	_ =	sdelay $0x1  }
0x99: {  	s19 =	simm.s32 $_scs_section_size  }
0x9a: {  	s4 =	simm.s32 $_size__tile_overlayer_lowered;
	s5 =	simm.s32 $_tile_overlayer_lowered  }
0x9b: {  	s22 =	simm.s32 $0x1BFF;
	s21 =	sshll.u32 s5, $0x1;
	s2 =	sadd.s32 s19, s18  }
0x9c: {  	s6 =	simm.s32 $0x0;
	s20 =	sshll.u32 s4, $0x1;
	s4 =	sadd.s32 s21, s2  }
0x9d: {  	[timem:s6], [sflag:s22] =	dma.local [hbm:s4], s20  }
0x9e: {  	_ =	swait.ge [sflag:s22], s20  }
0x9f: {  	s3 =	ssub.s32 $0x0, s20;
	[sflag:s22] =	ssyncset.done $0x0  }
0xa0: {  	[sflag:s22] =	ssyncadd.s32 s3;
	_ =	sdelay $0x1  }
0xa1: {  	s23 =	simm.s32 $0x1B8B  }
0xa2: {  	_ =	swait.ge [sflag:s23], $0x1  }
0xa3: {  	[sflag:s23] =	ssyncset.done $0x0  }
0xa4: {  	s25 =	simm.s32 $0x1B8E;
	s24 =	sld [smem:$0x3FFE];
	[sflag:s23] =	ssyncadd.s32 $0xFFFFFFFF  }
0xa5: {  	s26 =	simm.s32 $execute0_lowered;
	[smem:$0x3FD2] =	sst s25  }
0xa6: {  	s4 =	sshll.u32 s26, $0x1;
	_ =	strace $0x8000004C;
	[dreg:$0x1] =	wrdreg $0xFFFFFFFF  }
0xa7: {  	s28 =	simm.s32 $_size_execute0_lowered;
	s2 =	sadd.s32 s2, s4;
	[dreg:$0x0] =	wrdreg $0x0  }
0xa8: {  	s4 =	sshll.u32 s28, $0x1;
	[dreg:$0x2] =	wrdreg s2  }
0xa9: {  	[dreg:$0x3] =	wrdreg s4  }
0xaa: {  	[dreg:$0x4] =	wrdreg $0xC0  }
0xab: {  	_ =	task [dreg:s6], $0x5FFFF  }
0xac: {  	[dreg:$0x1] =	wrdreg $0xFFFFFFFF  }
0xad: {  	[dreg:$0x0] =	wrdreg $0x60  }
0xae: {  	[dreg:$0x2] =	wrdreg s24  }
0xaf: {  	[dreg:$0x3] =	wrdreg $0x9  }
0xb0: {  	_ =	task.clear_ibuf [dreg:s6], $0x4FFFF;
	_ =	strace $0x9000004C  }
0xb1: {  	s29 =	simm.s32 $0x9;
	_ =	strace $0x8000004E  }
0xb2: {  	_ =	swait.ge [sflag:s29], $0x1  }
0xb3: {  	[sflag:s29] =	ssyncadd.s32 $0xFFFFFFFF  }
0xb4: {  	_ =	strace $0x9000004E  }
0xb5: {  	_ =	sfence  }
0xb6: {  	s30 =	sld [smem:$0x0];
	_ =	sdelay $0x2  }
0xb7: {  	s31 =	sshll.u32 s1, $0xD;
	s1 =	sshrl.u32 s1, $0x2  }
0xb8: {  	s3 =	sand.u32 $0x4000, s31;
	s1 =	sadd.s32 s1, s30  }
0xb9: {  	s0 =	sor.u32 s3, s0;
	s1 =	sshll.u32 s1, $0x11  }
0xba: {  	s0 =	sor.u32 s1, s0  }
0xbb: {  	s0 =	sadd.s32 $0x8F2B, s0  }
0xbc: {  	[sflag:s0] =	ssyncadd.remote.s32 $0x1  }
0xbd: {  	_ =	sfence.sel $0xFFFF  }
0xbe: {  	[dreg:$0x0] =	wrdreg $0xFFFFFFFF;
	(pc) =	sbr.abs _section_cstart, $3  }
0xbf: {  	[dreg:$0x1] =	wrdreg $0xFFFFFFFF  }
0xc0: {  	_ =	task.clear_ibuf [dreg:s6], $0x2FFFF;
	_ =	strace $0x9FFFFFFF  }
0xc1: {  	(tm) =	ssettm $0x7FFFFFFF  }
tec
execute0_lowered:
.L_overlay_start_1:
0x0: {  	(tag) =	ssettag $0x1  }
0x1: {  	s4 =	rddreg [dreg:$0x0]  }
0x2: {  	s0 =	rddreg [dreg:$0x1];
	s2 =	simm.s32 $0x0;
	s3 =	srdreg.scid  }
0x3: {  	s1 =	stileid.u32;
	s10 =	simm.s32 $0x0;
	[smem:$0x7FF] =	sst s2  }
0x4: {  	s5 =	sand.u32 $0x1, s3;
	s6 =	sshll.u32 s1, $0xB;
	s3 =	sadd.s32 $0x1C8600, s4  }
0x5: {  	s8 =	sshll.u32 s1, $0xF;
	_ =	strace $0x8000004D;
	s7 =	sshll.u32 s5, $0xA  }
0x6: {  	s31 =	ssub.s32 $0x2, s5;
	s8 =	sadd.s32 s8, s4;
	s5 =	sshll.u32 s5, $0xE  }
0x7: {  	s6 =	sor.u32 s7, s6;
	s9 =	sshrl.u32 s31, $0x1;
	s5 =	sadd.s32 s5, s8  }
0x8: {  	s8 =	simm.s32 $0x80;
	s6 =	sshrl.u32 s6, $0x3;
	s7 =	ssub.s32 s31, s9  }
0x9: {  	s5 =	sadd.s32 $0x1E8600, s5;
	s9 =	simm.s32 $0x1;
	s6 =	sadd.s32 s6, s4  }
0xa: {  	s4 =	smax.u32 s7, $0x1;
	s7 =	simm.s32 $0x2;
	s6 =	sadd.s32 $0x189600, s6  }
.LBB2_1:
0xb: {  	s11 =	sadd.s32 $0x0, s6  }
0xc: {  	[tilespmem:s2], [sflag:$0x2] =	stream.linear.gather [hbm4b:s11+s2], $0x80, $0x38;
	[tilespmem:$0x4080] =	vst v63  }
0xd: {  	_ =	swait.ge [sflag:s7], $0x80  }
0xe: {  	[sflag:s7] =	ssyncset.done $0x0  }
0xf: {  	[sflag:s7] =	ssyncadd.s32 $0xFFFFFF80  }
0x10: {  	[tilespmem:s8], [sflag:$0x1] =	stream.indirect.gather [hbm4b:s3+s8], $0x80, s2, s8, $0xb8;
	[tilespmem:$0x4080] =	vst v63  }
0x11: {  	_ =	swait.ge [sflag:s9], $0x4000  }
0x12: {  	[sflag:s9] =	ssyncset.done $0x0  }
0x13: {  	[sflag:s9] =	ssyncadd.s32 $0xFFFFC000  }
0x14: {  	[hbm4b:s5+s2] =	stream.linear.scatter [tilespmem:s8], [sflag:$0x2], $0x4000, $0x38;
	[tilespmem:$0x4080] =	vst v63  }
0x15: {  	s12 =	simm.s32 $0x10;
	_ =	swait.ge [sflag:s7], $0x4000  }
0x16: {  	s13 =	simm.s32 $0x20;
	s11 =	sadd.s32 $0x800, s5;
	[sflag:s7] =	ssyncset.done $0x0  }
.LBB2_2:
0x17: {  	s14 =	sadd.s32 s12, s6  }
0x18: {  	[sflag:s7] =	ssyncadd.s32 $0xFFFFC000;
	s12 =	smov.u32 s13;
	s15 =	sadd.s32 $0x10, s13  }
0x19: {  	[tilespmem:s2], [sflag:$0x2] =	stream.linear.gather [hbm4b:s14+s2], $0x80, $0x38;
	[tilespmem:$0x4080] =	vst v63  }
0x1a: {  	p0 =	sne.s32 s13, $0x70;
	_ =	swait.ge [sflag:s7], $0x80  }
0x1b: {  	[sflag:s7] =	ssyncset.done $0x0  }
0x1c: {  	[sflag:s7] =	ssyncadd.s32 $0xFFFFFF80  }
0x1d: {  	[tilespmem:s8], [sflag:$0x1] =	stream.indirect.gather [hbm4b:s3+s8], $0x80, s2, s8, $0xb8;
	[tilespmem:$0x4080] =	vst v63  }
0x1e: {  	_ =	swait.ge [sflag:s9], $0x4000  }
.Ltmp0:
0x1f: {  	[sflag:s9] =	ssyncset.done $0x0;
	(pc) =	sbr.rel @p0 .LBB2_2-.Ltmp0, $4  }
0x20: {  	[sflag:s9] =	ssyncadd.s32 $0xFFFFC000  }
0x21: {  	[hbm4b:s11+s2] =	stream.linear.scatter [tilespmem:s8], [sflag:$0x2], $0x4000, $0x38;
	[tilespmem:$0x4080] =	vst v63  }
0x22: {  	_ =	swait.ge [sflag:s7], $0x4000  }
0x23: {  	s13 =	smov.u32 s15;
	s11 =	sadd.s32 $0x800, s11;
	[sflag:s7] =	ssyncset.done $0x0  }
0x24: {  	s12 =	sadd.s32 s12, s6;
	[sflag:s7] =	ssyncadd.s32 $0xFFFFC000  }
0x25: {  	[tilespmem:s2], [sflag:$0x2] =	stream.linear.gather [hbm4b:s12+s2], $0x80, $0x38;
	[tilespmem:$0x4080] =	vst v63  }
0x26: {  	_ =	swait.ge [sflag:s7], $0x80  }
0x27: {  	[sflag:s7] =	ssyncset.done $0x0  }
0x28: {  	[sflag:s7] =	ssyncadd.s32 $0xFFFFFF80  }
0x29: {  	[tilespmem:s8], [sflag:$0x1] =	stream.indirect.gather [hbm4b:s3+s8], $0x80, s2, s8, $0xb8;
	[tilespmem:$0x4080] =	vst v63  }
0x2a: {  	s10 =	sadd.s32 $0x1, s10;
	_ =	swait.ge [sflag:s9], $0x4000  }
0x2b: {  	p0 =	sne.s32 s10, s4;
	[sflag:s9] =	ssyncset.done $0x0  }
.Ltmp1:
0x2c: {  	[sflag:s9] =	ssyncadd.s32 $0xFFFFC000;
	(pc) =	sbr.rel @p0 .LBB2_1-.Ltmp1, $4  }
0x2d: {  	[hbm4b:s11+s2] =	stream.linear.scatter [tilespmem:s8], [sflag:$0x2], $0x4000, $0x38;
	[tilespmem:$0x4080] =	vst v63  }
0x2e: {  	_ =	swait.ge [sflag:s7], $0x4000  }
0x2f: {  	[sflag:s7] =	ssyncset.done $0x0  }
0x30: {  	[sflag:s7] =	ssyncadd.s32 $0xFFFFC000  }
0x31: {  	_ =	sfence.sel $0x180000  }
0x32: {  	[bflag:$0x0] =	sbarrier.arrive $0xFFFF  }
0x33: {  	p0 =	sne.s32 s1, $0x0;
	_ =	strace $0x9000004D  }
0x34: {  	s0 =	sadd.s32 @!p0 $0x100000, s0;
	[bflag:$0x2] =	sbarrier.arrive $0xFFFF  }
0x35: {  	[sflag:s0] =	ssyncadd.tile.s32 @!p0 $0x1;
	_ =	shalt  }
.Lfunc_end2:
_tile_overlayer_lowered:
.L_overlay_start_2:
0x36: {  	(tag) =	ssettag $0x2  }
0x37: {  	s0 =	rddreg [dreg:$0x0];
	s2 =	stileid.u32  }
0x38: {  	s1 =	rddreg [dreg:$0x1];
	p0 =	sne.s32 s2, $0x0  }
0x39: {  	s3 =	rddreg [dreg:$0x2];
	[bflag:$0x3] =	sbarrier.arrive $0xFFFF;
	s2 =	simm.s32 @!p0 $0x1C02  }
0x3a: {  	[timem:s3], [sflag:s2] =	dma.local @!p0 [hbm:s0], s1  }
0x3b: {  	s0 =	simm.s32 @!p0 $0x2  }
0x3c: {  	_ =	swait.ge @!p0 [sflag:s0], s1  }
0x3d: {  	s1 =	ssub.s32 @!p0 $0x0, s1;
	[sflag:s0] =	ssyncset.done @!p0 $0x0  }
0x3e: {  	[sflag:s0] =	ssyncadd.s32 @!p0 s1  }
0x3f: {  	[bflag:$0x3] =	sbarrier.arrive $0xFFFF  }
0x40: {  	_ =	shalt  }

// kernel: kernel.23.cloned.1.call-start
scs
__scs_entry_jumppad:
0x0: {  	(pc) =	sbr.rel $0x88, $3  }
0x1: {  	(tag) =	ssettag $0x0;
	lr =	simm.s32 $0x1  }
0x2: {  	[smem:$0x3F9F] =	sst lr;
	_ =	strace $0xD0000000  }
0x3: {  	_ = 	snop  }
0x4: {  	_ = 	snop  }
0x5: {  	_ = 	snop  }
0x6: {  	_ = 	snop  }
0x7: {  	_ = 	snop  }
__scs_overlays_trampoline_lowered:
0x8: {  	[smem:$0x3FAE] =	sst s0  }
0x9: {  	[smem:$0x3FAF] =	sst s1  }
0xa: {  	[smem:$0x3FB0] =	sst s2  }
0xb: {  	[smem:$0x3FB1] =	sst s3  }
0xc: {  	[smem:$0x3FB2] =	sst s4  }
0xd: {  	[smem:$0x3FB3] =	sst s5  }
0xe: {  	[smem:$0x3FB4] =	sst s6  }
0xf: {  	[smem:$0x3FB5] =	sst s7  }
0x10: {  	[smem:$0x3FB6] =	sst s8  }
0x11: {  	[smem:$0x3FB7] =	sst s9;
	s0 =	simm.s32 @!p0 $0x0  }
0x12: {  	s1 =	sld [smem:$0x3F9D];
	s0 =	simm.s32 @p0 $0x1  }
0x13: {  	[smem:$0x3FB8] =	sst s0;
	s0 =	simm.s32 @!p1 $0x0  }
0x14: {  	s2 =	sld [smem:$0x3F9C];
	s0 =	simm.s32 @p1 $0x1  }
0x15: {  	[smem:$0x3FB9] =	sst s0;
	s0 =	simm.s32 @!p2 $0x0  }
0x16: {  	s3 =	sld [smem:$0x3FDB];
	s0 =	simm.s32 @p2 $0x1  }
0x17: {  	s4 =	simm.s32 $0x1BF5;
	[smem:$0x3FBB] =	sst s0  }
0x18: {  	s0 =	sld [smem:$0x3F9E];
	_ =	swait.ge [sflag:s4], $0x0  }
0x19: {  	s7 =	sld [smem:$0x3F9F]  }
0x1a: {  	s8 =	sadd.s32 $0xFFFFE003, lr  }
0x1b: {  	s9 =	sadd.s32 $0xFFFFFEF7, lr;
	s5 =	simm.s32 $0xFFFFFFFF;
	p2 =	slt.u32 s8, $0xFFFFF086  }
0x1c: {  	p1 =	slt.u32 s9, $0xF7A;
	s5 =	simm.s32 @!p2 $0x0  }
0x1d: {  	s5 =	simm.s32 @p1 $0x1;
	p0 =	seq.s32 s7, s2  }
0x1e: {  	s7 =	smul.u32 @!p0 $0xF7A, s2;
	p2 =	seq.s32 @!p0 s5, $0x0  }
0x1f: {  	s9 =	smul.u32 $0xF7A, s1;
	s8 =	simm.s32 @!p0 $0x1BF5;
	p2 =	por !p2, p0  }
0x20: {  	[sflag:s8] =	ssyncset.s32 @!p0 $0xFFFFF086;
	s6 =	sadd.s32 @!p0 s3, s7;
	s7 =	simm.s32 @!p0 $0x108  }
0x21: {  	s3 =	sadd.s32 s3, s9;
	s6 =	sadd.s32 @!p0 $0x88, s6;
	s7 =	simm.s32 @p2 $0x1082  }
0x22: {  	[simem:s7], [sflag:s8] =	dma.local @!p0 [hbm:s6], $0xF7A  }
0x23: {  	s9 =	sor.u32 $0xD0000000, s2;
	s6 =	simm.s32 $0x108;
	_ =	swait.ge @!p0 [sflag:s8], $0x0  }
0x24: {  	s3 =	sadd.s32 $0x88, s3;
	s6 =	simm.s32 @!p1 $0x1082;
	[sflag:s4] =	ssyncset.s32 $0xFFFFF086  }
0x25: {  	[simem:s6], [sflag:s4] =	dma.local [hbm:s3], $0xF7A  }
0x26: {  	[smem:$0x3F9F] =	sst s1;
	(tag) =	ssettag s2;
	_ =	strace s9  }
0x27: {  	s1 =	sld [smem:$0x3FAF]  }
0x28: {  	s2 =	sld [smem:$0x3FB0]  }
0x29: {  	s4 =	sld [smem:$0x3FB2]  }
0x2a: {  	p0 =	seq.s32 s5, $0x0;
	s5 =	sld [smem:$0x3FB3]  }
0x2b: {  	s6 =	sld [smem:$0x3FB4]  }
0x2c: {  	s7 =	sld [smem:$0x3FB5]  }
0x2d: {  	s3 =	simm.s32 $0x108;
	s8 =	sld [smem:$0x3FB6]  }
0x2e: {  	s3 =	simm.s32 @!p0 $0x1082;
	s9 =	sld [smem:$0x3FB7]  }
0x2f: {  	lr =	sadd.s32 s0, s3;
	s0 =	sld [smem:$0x3FAE]  }
0x30: {  	s3 =	sld [smem:$0x3FB1]  }
0x31: {  	[smem:$0x3FBA] =	sst s10  }
0x32: {  	s10 =	sld [smem:$0x3FB8];
	_ =	sdelay $0x3  }
0x33: {  	p0 =	seq.s32 s10, $0x1;
	s10 =	sld [smem:$0x3FBA];
	_ =	sdelay $0x3  }
0x34: {  	[smem:$0x3FBA] =	sst s10  }
0x35: {  	s10 =	sld [smem:$0x3FB9];
	_ =	sdelay $0x3  }
0x36: {  	p1 =	seq.s32 s10, $0x1;
	s10 =	sld [smem:$0x3FBA];
	_ =	sdelay $0x3  }
0x37: {  	[smem:$0x3FBA] =	sst s10  }
0x38: {  	s10 =	sld [smem:$0x3FBB]  }
0x39: {  	_ = 	snop;
	(pc) =	sbr.ind lr, $3  }
0x3a: {  	_ = 	snop  }
0x3b: {  	_ = 	snop  }
0x3c: {  	p2 =	seq.s32 s10, $0x1;
	s10 =	sld [smem:$0x3FBA]  }
0x3d: {  	_ =	shalt  }
0x3e: {  	_ =	shalt  }
0x3f: {  	_ =	shalt  }
0x40: {  	_ =	shalt  }
0x41: {  	_ =	shalt  }
0x42: {  	_ =	shalt  }
0x43: {  	_ =	shalt  }
0x44: {  	_ =	shalt  }
0x45: {  	_ =	shalt  }
0x46: {  	_ =	shalt  }
0x47: {  	_ =	shalt  }
0x48: {  	_ =	shalt  }
0x49: {  	_ =	shalt  }
0x4a: {  	_ =	shalt  }
0x4b: {  	_ =	shalt  }
0x4c: {  	_ =	shalt  }
0x4d: {  	_ =	shalt  }
0x4e: {  	_ =	shalt  }
0x4f: {  	_ =	shalt  }
0x50: {  	_ =	shalt  }
0x51: {  	_ =	shalt  }
0x52: {  	_ =	shalt  }
0x53: {  	_ =	shalt  }
0x54: {  	_ =	shalt  }
0x55: {  	_ =	shalt  }
0x56: {  	_ =	shalt  }
0x57: {  	_ =	shalt  }
0x58: {  	_ =	shalt  }
0x59: {  	_ =	shalt  }
0x5a: {  	_ =	shalt  }
0x5b: {  	_ =	shalt  }
0x5c: {  	_ =	shalt  }
0x5d: {  	_ =	shalt  }
0x5e: {  	_ =	shalt  }
0x5f: {  	_ =	shalt  }
0x60: {  	_ =	shalt  }
0x61: {  	_ =	shalt  }
0x62: {  	_ =	shalt  }
0x63: {  	_ =	shalt  }
0x64: {  	_ =	shalt  }
0x65: {  	_ =	shalt  }
0x66: {  	_ =	shalt  }
0x67: {  	_ =	shalt  }
0x68: {  	_ =	shalt  }
0x69: {  	_ =	shalt  }
0x6a: {  	_ =	shalt  }
0x6b: {  	_ =	shalt  }
0x6c: {  	_ =	shalt  }
0x6d: {  	_ =	shalt  }
0x6e: {  	_ =	shalt  }
0x6f: {  	_ =	shalt  }
0x70: {  	_ =	shalt  }
0x71: {  	_ =	shalt  }
0x72: {  	_ =	shalt  }
0x73: {  	_ =	shalt  }
0x74: {  	_ =	shalt  }
0x75: {  	_ =	shalt  }
0x76: {  	_ =	shalt  }
0x77: {  	_ =	shalt  }
0x78: {  	_ =	shalt  }
0x79: {  	_ =	shalt  }
0x7a: {  	_ =	shalt  }
0x7b: {  	_ =	shalt  }
0x7c: {  	_ =	shalt  }
0x7d: {  	_ =	shalt  }
0x7e: {  	_ =	shalt  }
0x7f: {  	_ =	shalt  }
0x80: {  	_ =	shalt  }
0x81: {  	_ =	shalt  }
0x82: {  	_ =	shalt  }
0x83: {  	_ =	shalt  }
0x84: {  	_ =	shalt  }
0x85: {  	_ =	shalt  }
0x86: {  	_ =	shalt  }
0x87: {  	_ =	shalt  }
.Lfunc_end0:
.L_simem_size_0:
called_computation.3_lowered:
.L_overlay_start_0:
0x88: {  	s2 =	sld [smem:$0x3FD9]  }
0x89: {  	s3 =	sld [smem:$0x3FFE];
	_ =	sdelay $0x1  }
0x8a: {  	s1 =	srdreg.scid  }
0x8b: {  	s0 =	sand.u32 $0x1, s1  }
0x8c: {  	s14 =	sshll.u32 s0, $0xA;
	s2 =	sadd.s32 s3, s2  }
0x8d: {  	s2 =	sadd.s32 s2, s14  }
0x8e: {  	[smem:$0x3FC6] =	sst s2  }
0x8f: {  	_ = 	snop  }
0x90: {  	s2 =	sld [smem:$0x3FD0];
	_ =	sdelay $0x2  }
0x91: {  	s15 =	simm.s32 $0xA;
	s4 =	simm.s32 $0x10  }
0x92: {  	[smem:s4], [sflag:s15] =	dma.local [hbm:s2], $0x1  }
0x93: {  	_ =	swait.eq [sflag:s15], $0x1  }
0x94: {  	[sflag:s15] =	ssyncset.done $0x0  }
0x95: {  	[sflag:s15] =	ssyncadd.s32 $0xFFFFFFFF  }
0x96: {  	s16 =	sld [smem:$0x10];
	(tm) =	ssettm $0x1  }
0x97: {  	s17 =	sld [smem:$0x3FFB];
	_ =	sdelay $0x3  }
0x98: {  	_ =	strace s17  }
0x99: {  	s3 =	sld [smem:$0x3FFC];
	_ =	sdelay $0x3  }
0x9a: {  	_ =	strace s3  }
0x9b: {  	s3 =	sld [smem:$0x3FFD];
	_ =	sdelay $0x3  }
0x9c: {  	_ =	strace s3  }
0x9d: {  	_ =	strace $0x8FFFFFFF  }
0x9e: {  	s18 =	sld [smem:$0x3FDB];
	_ =	sdelay $0x1  }
0x9f: {  	s19 =	simm.s32 $_scs_section_size  }
0xa0: {  	s5 =	simm.s32 $_size__tile_overlayer_lowered;
	s6 =	simm.s32 $_tile_overlayer_lowered  }
0xa1: {  	s22 =	simm.s32 $0x1BFF;
	s21 =	sshll.u32 s6, $0x1;
	s3 =	sadd.s32 s19, s18  }
0xa2: {  	s7 =	simm.s32 $0x0;
	s20 =	sshll.u32 s5, $0x1;
	s5 =	sadd.s32 s21, s3  }
0xa3: {  	[timem:s7], [sflag:s22] =	dma.local [hbm:s5], s20  }
0xa4: {  	_ =	swait.ge [sflag:s22], s20  }
0xa5: {  	s4 =	ssub.s32 $0x0, s20;
	[sflag:s22] =	ssyncset.done $0x0  }
0xa6: {  	[sflag:s22] =	ssyncadd.s32 s4;
	_ =	sdelay $0x1  }
0xa7: {  	s23 =	simm.s32 $0x1B8B  }
0xa8: {  	_ =	swait.ge [sflag:s23], $0x1  }
0xa9: {  	[sflag:s23] =	ssyncset.done $0x0  }
0xaa: {  	s25 =	simm.s32 $0x1B8E;
	s24 =	sld [smem:$0x3FFE];
	[sflag:s23] =	ssyncadd.s32 $0xFFFFFFFF  }
0xab: {  	s26 =	simm.s32 $execute0_lowered;
	[smem:$0x3FD2] =	sst s25  }
0xac: {  	s5 =	sshll.u32 s26, $0x1;
	_ =	strace $0x8000004F;
	[dreg:$0x1] =	wrdreg $0xFFFFFFFF  }
0xad: {  	s28 =	simm.s32 $_size_execute0_lowered;
	s3 =	sadd.s32 s3, s5;
	[dreg:$0x0] =	wrdreg $0x0  }
0xae: {  	s5 =	sshll.u32 s28, $0x1;
	[dreg:$0x2] =	wrdreg s3  }
0xaf: {  	[dreg:$0x3] =	wrdreg s5  }
0xb0: {  	[dreg:$0x4] =	wrdreg $0xC0  }
0xb1: {  	_ =	task [dreg:s7], $0x5FFFF  }
0xb2: {  	[dreg:$0x1] =	wrdreg $0xFFFFFFFF  }
0xb3: {  	[dreg:$0x0] =	wrdreg $0x60  }
0xb4: {  	[dreg:$0x2] =	wrdreg s16  }
0xb5: {  	[dreg:$0x3] =	wrdreg s24  }
0xb6: {  	[dreg:$0x4] =	wrdreg $0x9  }
0xb7: {  	_ =	task.clear_ibuf [dreg:s7], $0x5FFFF;
	_ =	strace $0x9000004F  }
0xb8: {  	s29 =	simm.s32 $0x9;
	_ =	strace $0x80000051  }
0xb9: {  	_ =	swait.ge [sflag:s29], $0x1  }
0xba: {  	[sflag:s29] =	ssyncadd.s32 $0xFFFFFFFF  }
0xbb: {  	_ =	strace $0x90000051  }
0xbc: {  	_ =	sfence  }
0xbd: {  	s30 =	sld [smem:$0x0];
	_ =	sdelay $0x2  }
0xbe: {  	s31 =	sshll.u32 s1, $0xD;
	s1 =	sshrl.u32 s1, $0x2  }
0xbf: {  	s3 =	sand.u32 $0x4000, s31;
	s1 =	sadd.s32 s1, s30  }
0xc0: {  	s0 =	sor.u32 s3, s0;
	s1 =	sshll.u32 s1, $0x11  }
0xc1: {  	s0 =	sor.u32 s1, s0  }
0xc2: {  	s0 =	sadd.s32 $0x8F2B, s0  }
0xc3: {  	[sflag:s0] =	ssyncadd.remote.s32 $0x1  }
0xc4: {  	_ =	sfence.sel $0xFFFF  }
0xc5: {  	[dreg:$0x0] =	wrdreg $0xFFFFFFFF;
	(pc) =	sbr.abs _section_cstart, $3  }
0xc6: {  	[dreg:$0x1] =	wrdreg $0xFFFFFFFF  }
0xc7: {  	_ =	task.clear_ibuf [dreg:s7], $0x2FFFF;
	_ =	strace $0x9FFFFFFF  }
0xc8: {  	(tm) =	ssettm $0x7FFFFFFF  }
0xc9: {  	_ =	shalt  }
tec
execute0_lowered:
.L_overlay_start_1:
0x0: {  	(tag) =	ssettag $0x1  }
0x1: {  	s1 =	rddreg [dreg:$0x0]  }
0x2: {  	s4 =	rddreg [dreg:$0x1]  }
0x3: {  	s0 =	rddreg [dreg:$0x2];
	s5 =	srdreg.scid  }
0x4: {  	s3 =	simm.s32 $0x0;
	s2 =	stileid.u32;
	s10 =	simm.s32 $0x0  }
0x5: {  	s5 =	sand.u32 $0x1, s5;
	[smem:$0x7FF] =	sst s3;
	s6 =	sshll.u32 s2, $0xB  }
0x6: {  	s8 =	sshll.u32 s2, $0xF;
	s7 =	sshll.u32 s5, $0xA;
	_ =	strace $0x80000050  }
0x7: {  	s31 =	ssub.s32 $0x2, s5;
	s8 =	sadd.s32 s8, s4;
	s5 =	sshll.u32 s5, $0xE  }
0x8: {  	s6 =	sor.u32 s7, s6;
	s9 =	sshrl.u32 s31, $0x1;
	s5 =	sadd.s32 s5, s8  }
0x9: {  	s8 =	simm.s32 $0x80;
	s6 =	sshrl.u32 s6, $0x3;
	s7 =	ssub.s32 s31, s9  }
0xa: {  	s5 =	sadd.s32 $0x82600, s5;
	s9 =	simm.s32 $0x1;
	s6 =	sadd.s32 s6, s4  }
0xb: {  	s4 =	smax.u32 s7, $0x1;
	s7 =	simm.s32 $0x2;
	s6 =	sadd.s32 $0x81600, s6  }
.LBB2_1:
0xc: {  	s11 =	sadd.s32 $0x0, s6  }
0xd: {  	[tilespmem:s3], [sflag:$0x2] =	stream.linear.gather [hbm4b:s11+s3], $0x80, $0x38;
	[tilespmem:$0x4080] =	vst v63  }
0xe: {  	_ =	swait.ge [sflag:s7], $0x80  }
0xf: {  	[sflag:s7] =	ssyncset.done $0x0  }
0x10: {  	[sflag:s7] =	ssyncadd.s32 $0xFFFFFF80  }
0x11: {  	[tilespmem:s8], [sflag:$0x1] =	stream.indirect.gather [hbm4b:s1+s8], $0x80, s3, s8, $0xb8;
	[tilespmem:$0x4080] =	vst v63  }
0x12: {  	_ =	swait.ge [sflag:s9], $0x4000  }
0x13: {  	[sflag:s9] =	ssyncset.done $0x0  }
0x14: {  	[sflag:s9] =	ssyncadd.s32 $0xFFFFC000  }
0x15: {  	[hbm4b:s5+s3] =	stream.linear.scatter [tilespmem:s8], [sflag:$0x2], $0x4000, $0x38;
	[tilespmem:$0x4080] =	vst v63  }
0x16: {  	s12 =	simm.s32 $0x10;
	_ =	swait.ge [sflag:s7], $0x4000  }
0x17: {  	s13 =	simm.s32 $0x20;
	s11 =	sadd.s32 $0x800, s5;
	[sflag:s7] =	ssyncset.done $0x0  }
.LBB2_2:
0x18: {  	s14 =	sadd.s32 s12, s6  }
0x19: {  	[sflag:s7] =	ssyncadd.s32 $0xFFFFC000;
	s12 =	smov.u32 s13;
	s15 =	sadd.s32 $0x10, s13  }
0x1a: {  	[tilespmem:s3], [sflag:$0x2] =	stream.linear.gather [hbm4b:s14+s3], $0x80, $0x38;
	[tilespmem:$0x4080] =	vst v63  }
0x1b: {  	p0 =	sne.s32 s13, $0x70;
	_ =	swait.ge [sflag:s7], $0x80  }
0x1c: {  	[sflag:s7] =	ssyncset.done $0x0  }
0x1d: {  	[sflag:s7] =	ssyncadd.s32 $0xFFFFFF80  }
0x1e: {  	[tilespmem:s8], [sflag:$0x1] =	stream.indirect.gather [hbm4b:s1+s8], $0x80, s3, s8, $0xb8;
	[tilespmem:$0x4080] =	vst v63  }
0x1f: {  	_ =	swait.ge [sflag:s9], $0x4000  }
.Ltmp0:
0x20: {  	[sflag:s9] =	ssyncset.done $0x0;
	(pc) =	sbr.rel @p0 .LBB2_2-.Ltmp0, $4  }
0x21: {  	[sflag:s9] =	ssyncadd.s32 $0xFFFFC000  }
0x22: {  	[hbm4b:s11+s3] =	stream.linear.scatter [tilespmem:s8], [sflag:$0x2], $0x4000, $0x38;
	[tilespmem:$0x4080] =	vst v63  }
0x23: {  	_ =	swait.ge [sflag:s7], $0x4000  }
0x24: {  	s13 =	smov.u32 s15;
	s11 =	sadd.s32 $0x800, s11;
	[sflag:s7] =	ssyncset.done $0x0  }
0x25: {  	s12 =	sadd.s32 s12, s6;
	[sflag:s7] =	ssyncadd.s32 $0xFFFFC000  }
0x26: {  	[tilespmem:s3], [sflag:$0x2] =	stream.linear.gather [hbm4b:s12+s3], $0x80, $0x38;
	[tilespmem:$0x4080] =	vst v63  }
0x27: {  	_ =	swait.ge [sflag:s7], $0x80  }
0x28: {  	[sflag:s7] =	ssyncset.done $0x0  }
0x29: {  	[sflag:s7] =	ssyncadd.s32 $0xFFFFFF80  }
0x2a: {  	[tilespmem:s8], [sflag:$0x1] =	stream.indirect.gather [hbm4b:s1+s8], $0x80, s3, s8, $0xb8;
	[tilespmem:$0x4080] =	vst v63  }
0x2b: {  	s10 =	sadd.s32 $0x1, s10;
	_ =	swait.ge [sflag:s9], $0x4000  }
0x2c: {  	p0 =	sne.s32 s10, s4;
	[sflag:s9] =	ssyncset.done $0x0  }
.Ltmp1:
0x2d: {  	[sflag:s9] =	ssyncadd.s32 $0xFFFFC000;
	(pc) =	sbr.rel @p0 .LBB2_1-.Ltmp1, $4  }
0x2e: {  	[hbm4b:s11+s3] =	stream.linear.scatter [tilespmem:s8], [sflag:$0x2], $0x4000, $0x38;
	[tilespmem:$0x4080] =	vst v63  }
0x2f: {  	_ =	swait.ge [sflag:s7], $0x4000  }
0x30: {  	[sflag:s7] =	ssyncset.done $0x0  }
0x31: {  	[sflag:s7] =	ssyncadd.s32 $0xFFFFC000  }
0x32: {  	_ =	sfence.sel $0x180000  }
0x33: {  	[bflag:$0x0] =	sbarrier.arrive $0xFFFF  }
0x34: {  	p0 =	sne.s32 s2, $0x0;
	_ =	strace $0x90000050  }
0x35: {  	s0 =	sadd.s32 @!p0 $0x100000, s0;
	[bflag:$0x2] =	sbarrier.arrive $0xFFFF  }
0x36: {  	[sflag:s0] =	ssyncadd.tile.s32 @!p0 $0x1;
	_ =	shalt  }
.Lfunc_end2:
_tile_overlayer_lowered:
.L_overlay_start_2:
0x37: {  	(tag) =	ssettag $0x2  }
0x38: {  	s0 =	rddreg [dreg:$0x0];
	s2 =	stileid.u32  }
0x39: {  	s1 =	rddreg [dreg:$0x1];
	p0 =	sne.s32 s2, $0x0  }
0x3a: {  	s3 =	rddreg [dreg:$0x2];
	[bflag:$0x3] =	sbarrier.arrive $0xFFFF;
	s2 =	simm.s32 @!p0 $0x1C02  }
0x3b: {  	[timem:s3], [sflag:s2] =	dma.local @!p0 [hbm:s0], s1  }
0x3c: {  	s0 =	simm.s32 @!p0 $0x2  }
0x3d: {  	_ =	swait.ge @!p0 [sflag:s0], s1  }
0x3e: {  	s1 =	ssub.s32 @!p0 $0x0, s1;
	[sflag:s0] =	ssyncset.done @!p0 $0x0  }
0x3f: {  	[sflag:s0] =	ssyncadd.s32 @!p0 s1  }
0x40: {  	[bflag:$0x3] =	sbarrier.arrive $0xFFFF  }
0x41: {  	_ =	shalt  }

</sc_bundles>
